<compile_context>
chip_gen: v7x
topology: tpu7x:2x2x1
jax: 0.10.2.dev20260603
libtpu: 0.0.44.dev20260713+nightly
codegen_flags: <defaults>
</compile_context>

<pallas_src>
import functools

import jax
import jax.numpy as jnp
from jax import lax
from jax.experimental import pallas as pl
from jax.experimental.pallas import tpu as pltpu
from jax.experimental.pallas import tpu_sc as plsc

N = 10000
E = 160000
D_IN = 256
DH = 128
NS = 16
EPT = E // NS
CH = 80
NCHUNK = EPT // CH
ZR = 624
ZR_LAST = N - 15 * ZR

_mesh = plsc.VectorSubcoreMesh(core_axis_name="c", subcore_axis_name="s")


@functools.partial(
    pl.kernel,
    out_type=[
        jax.ShapeDtypeStruct((N, DH), jnp.float32),
        jax.ShapeDtypeStruct((N, DH), jnp.float32),
        jax.ShapeDtypeStruct((N,), jnp.float32),
        jax.ShapeDtypeStruct((N,), jnp.float32),
    ],
    mesh=_mesh,
    scratch_types=[
        pltpu.VMEM_SHARED((N, DH), jnp.float32),
        pltpu.VMEM_SHARED((N,), jnp.float32),
        pltpu.VMEM((CH,), jnp.int32),
        pltpu.VMEM((CH,), jnp.int32),
        pltpu.VMEM((CH,), jnp.int32),
        pltpu.VMEM((CH,), jnp.int32),
        pltpu.VMEM((CH, DH), jnp.float32),
        pltpu.VMEM((CH, DH), jnp.float32),
        pltpu.VMEM((CH,), jnp.float32),
        pltpu.VMEM((ZR_LAST,), jnp.float32),
        pltpu.SemaphoreType.DMA,
        pltpu.SemaphoreType.DMA,
        pltpu.SemaphoreType.DMA,
        pltpu.SemaphoreType.DMA,
        pltpu.SemaphoreType.DMA,
        pltpu.SemaphoreType.DMA,
        pltpu.SemaphoreType.DMA,
    ],
)
def _sc_agg(xs_hbm, src_hbm, dst_hbm, z128_hbm, z1_hbm,
            out_lo, out_hi, out_deg0, out_deg1,
            acc, dacc, sidx0, sidx1, didx0, didx1,
            rows0, rows1, dones, dbuf, sem0, sem1,
            ssm0, ssm1, dsm0, dsm1, degsem):
    cid = lax.axis_index("c")
    sid = lax.axis_index("s")

    sidx = (sidx0, sidx1)
    didx = (didx0, didx1)
    rows = (rows0, rows1)
    sems = (sem0, sem1)
    ssms = (ssm0, ssm1)
    dsms = (dsm0, dsm1)

    pltpu.sync_copy(z1_hbm, dbuf)

    @pl.when(sid < 15)
    def _():
        st = pl.multiple_of(sid * ZR, 8)
        pltpu.sync_copy(z128_hbm.at[pl.ds(0, ZR)], acc.at[pl.ds(st, ZR)])
        pltpu.sync_copy(dbuf.at[pl.ds(0, ZR)], dacc.at[pl.ds(st, ZR)])

    @pl.when(sid == 15)
    def _():
        pltpu.sync_copy(z128_hbm, acc.at[pl.ds(15 * ZR, ZR_LAST)])
        pltpu.sync_copy(dbuf, dacc.at[pl.ds(15 * ZR, ZR_LAST)])

    for i in range(CH // 16):
        dones[pl.ds(i * 16, 16)] = jnp.full((16,), 1.0, jnp.float32)

    base = cid * E + sid * EPT

    def sfill_start(c, b):
        pltpu.async_copy(src_hbm.at[pl.ds(base + c * CH, CH)], sidx[b], ssms[b])

    def sfill_wait(b):
        pltpu.make_async_copy(src_hbm.at[pl.ds(0, CH)], sidx[b], ssms[b]).wait()

    def dfill_start(c, b):
        pltpu.async_copy(dst_hbm.at[pl.ds(sid * EPT + c * CH, CH)], didx[b],
                         dsms[b])

    def dfill_wait(b):
        pltpu.make_async_copy(dst_hbm.at[pl.ds(0, CH)], didx[b], dsms[b]).wait()

    def gstart(b):
        return pltpu.async_copy(xs_hbm.at[sidx[b]], rows[b], sems[b])

    def gwait(b):
        pltpu.make_async_copy(xs_hbm.at[pl.ds(0, CH)], rows[b], sems[b]).wait()

    def scatter(b):
        dfill_wait(b)

        @pl.when(cid == b)
        def _():
            pltpu.async_copy(dones, dacc.at[didx[b]], degsem, add=True)

        pltpu.sync_copy(rows[b], acc.at[didx[b]], add=True)

        @pl.when(cid == b)
        def _():
            pltpu.make_async_copy(dones, dacc.at[pl.ds(0, CH)], degsem).wait()

    plsc.subcore_barrier()

    sfill_start(0, 0)
    dfill_start(0, 0)
    sfill_wait(0)
    gstart(0)
    sfill_start(1, 1)
    dfill_start(1, 1)

    def body(j, carry):
        c = 2 * j
        sfill_wait(1)
        gstart(1)
        gwait(0)
        sfill_start(c + 2, 0)
        scatter(0)
        dfill_start(c + 2, 0)
        sfill_wait(0)
        gstart(0)
        gwait(1)

        @pl.when(c + 3 < NCHUNK)
        def _():
            sfill_start(c + 3, 1)

        scatter(1)

        @pl.when(c + 3 < NCHUNK)
        def _():
            dfill_start(c + 3, 1)

        return carry

    lax.fori_loop(0, (NCHUNK - 1) // 2, body, 0)
    gwait(0)
    scatter(0)

    plsc.subcore_barrier()

    @pl.when(cid == 0)
    def _():
        @pl.when(sid < 15)
        def _():
            st = pl.multiple_of(sid * ZR, 8)
            pltpu.sync_copy(acc.at[pl.ds(st, ZR)], out_lo.at[pl.ds(st, ZR)])
            pltpu.sync_copy(dacc.at[pl.ds(st, ZR)], dbuf.at[pl.ds(0, ZR)])
            pltpu.sync_copy(dbuf.at[pl.ds(0, ZR)], out_deg0.at[pl.ds(st, ZR)])

        @pl.when(sid == 15)
        def _():
            pltpu.sync_copy(acc.at[pl.ds(15 * ZR, ZR_LAST)],
                            out_lo.at[pl.ds(15 * ZR, ZR_LAST)])
            pltpu.sync_copy(dacc.at[pl.ds(15 * ZR, ZR_LAST)], dbuf)
            pltpu.sync_copy(dbuf, out_deg0.at[pl.ds(15 * ZR, ZR_LAST)])

    @pl.when(cid == 1)
    def _():
        @pl.when(sid < 15)
        def _():
            st = pl.multiple_of(sid * ZR, 8)
            pltpu.sync_copy(acc.at[pl.ds(st, ZR)], out_hi.at[pl.ds(st, ZR)])
            pltpu.sync_copy(dacc.at[pl.ds(st, ZR)], dbuf.at[pl.ds(0, ZR)])
            pltpu.sync_copy(dbuf.at[pl.ds(0, ZR)], out_deg1.at[pl.ds(st, ZR)])

        @pl.when(sid == 15)
        def _():
            pltpu.sync_copy(acc.at[pl.ds(15 * ZR, ZR_LAST)],
                            out_hi.at[pl.ds(15 * ZR, ZR_LAST)])
            pltpu.sync_copy(dacc.at[pl.ds(15 * ZR, ZR_LAST)], dbuf)
            pltpu.sync_copy(dbuf, out_deg1.at[pl.ds(15 * ZR, ZR_LAST)])


ROWS_BLK = 2000


def _tc_body(aglo_ref, aghi_ref, x_ref, dg0_ref, dg1_ref, w_ref, b_ref, o_ref):
    r = 1.0 / (dg0_ref[...] + dg1_ref[...] + 1.0)
    hlo = (aglo_ref[...] + x_ref[:, :DH]) * r
    hhi = (aghi_ref[...] + x_ref[:, DH:]) * r
    o_ref[...] = (
        jnp.dot(hlo, w_ref[:DH, :], preferred_element_type=jnp.float32)
        + jnp.dot(hhi, w_ref[DH:, :], preferred_element_type=jnp.float32)
        + b_ref[...]
    )


def _tc_call(agg_lo, agg_hi, x, deg0, deg1, W, b2):
    grid = (N // ROWS_BLK,)
    return pl.pallas_call(
        _tc_body,
        grid=grid,
        in_specs=[
            pl.BlockSpec((ROWS_BLK, DH), lambda i: (i, 0)),
            pl.BlockSpec((ROWS_BLK, DH), lambda i: (i, 0)),
            pl.BlockSpec((ROWS_BLK, D_IN), lambda i: (i, 0)),
            pl.BlockSpec((ROWS_BLK, 1), lambda i: (i, 0)),
            pl.BlockSpec((ROWS_BLK, 1), lambda i: (i, 0)),
            pl.BlockSpec((D_IN, D_IN), lambda i: (0, 0)),
            pl.BlockSpec((1, D_IN), lambda i: (0, 0)),
        ],
        out_specs=pl.BlockSpec((ROWS_BLK, D_IN), lambda i: (i, 0)),
        out_shape=jax.ShapeDtypeStruct((N, D_IN), jnp.float32),
    )(agg_lo, agg_hi, x, deg0, deg1, W, b2)


@jax.jit
def kernel(x, edge_index, W, b):
    src = edge_index[0].astype(jnp.int32)
    dst = edge_index[1].astype(jnp.int32)
    xs = x.reshape(2 * N, DH)
    src2 = jnp.concatenate([src * 2, src * 2 + 1])
    z128 = jnp.zeros((ZR_LAST, DH), jnp.float32)
    z1 = jnp.zeros((ZR_LAST,), jnp.float32)
    agg_lo, agg_hi, deg0, deg1 = _sc_agg(xs, src2, dst, z128, z1)
    return _tc_call(agg_lo, agg_hi, x, deg0.reshape(N, 1), deg1.reshape(N, 1),
                    W, b.reshape(1, D_IN))

# --- scband reference (transcript-rebuilt; emitter-appended) ---
"""Pipeline reference for scband-my-model-67851893342574 (READ-ONLY COPY).

The authoritative reference and input builder live on the scoring server;
editing this copy changes nothing except your own understanding.
"""

import jax, jax.numpy as jnp
import numpy as np

N = 10000
E = 160000
D_IN = 256
D_OUT = 256


def setup_inputs(seed: int = 0) -> dict:
    key = jax.random.key(seed)
    k1, k2, k3 = jax.random.split(key, 3)
    x = jax.random.normal(k1, (N, D_IN), dtype=jnp.float32)
    # edge_index[0] = src node ids, edge_index[1] = dst node ids (MFG block edges)
    edge_index = jax.random.randint(k2, (2, E), 0, N)
    # SAGEConv(aggregator_type='gcn') parameters: fc_neigh weight + bias
    W = jax.random.normal(k3, (D_IN, D_OUT), dtype=jnp.float32) * (1.0 / np.sqrt(D_IN))
    b = jnp.zeros((D_OUT,), dtype=jnp.float32)
    return {"x": x, "edge_index": edge_index, "W": W, "b": b}


def reference(x, edge_index, W, b):
    # DGL SAGEConv with aggregator_type='gcn':
    #   neigh_i = sum_{j in N(i)} x_j  (copy_u + sum scatter)
    #   h_i = (neigh_i + x_i) / (in_deg_i + 1)
    #   out = h @ W + b  (fc_neigh; no fc_self for gcn aggregator)
    src = edge_index[0]
    dst = edge_index[1]
    n = x.shape[0]
    agg = jnp.zeros_like(x).at[dst].add(x[src])
    deg = jnp.zeros((n,), dtype=x.dtype).at[dst].add(1.0)
    h = (agg + x) / (deg[:, None] + 1.0)
    return h @ W + b

if __name__ == "__main__":
    import jax
    _d = setup_inputs()
    print(jax.jit(kernel)(*tuple(_d.values())))

</pallas_src>

<mosaic_0001>
#map = affine_map<(d0, d1) -> (0, 0)>
#map1 = affine_map<(d0, d1) -> (0)>
module attributes {stable_mosaic.version = 14 : i64} {
  func.func @_sc_agg(%arg0: i32, %arg1: i32, %arg2: memref<20000x128xf32, #tpu.memory_space<hbm>>, %arg3: memref<320000xi32, #tpu.memory_space<hbm>>, %arg4: memref<160000xi32, #tpu.memory_space<hbm>>, %arg5: memref<640x128xf32, #tpu.memory_space<hbm>>, %arg6: memref<640xf32, #tpu.memory_space<hbm>>, %arg7: memref<10000x128xf32, #tpu.memory_space<hbm>>, %arg8: memref<10000x128xf32, #tpu.memory_space<hbm>>, %arg9: memref<10000xf32, #tpu.memory_space<hbm>>, %arg10: memref<10000xf32, #tpu.memory_space<hbm>>, %arg11: memref<10000x128xf32, #tpu.memory_space<vmem_shared>>, %arg12: memref<10000xf32, #tpu.memory_space<vmem_shared>>, %arg13: memref<80xi32, #tpu.memory_space<vmem>>, %arg14: memref<80xi32, #tpu.memory_space<vmem>>, %arg15: memref<80xi32, #tpu.memory_space<vmem>>, %arg16: memref<80xi32, #tpu.memory_space<vmem>>, %arg17: memref<80x128xf32, #tpu.memory_space<vmem>>, %arg18: memref<80x128xf32, #tpu.memory_space<vmem>>, %arg19: memref<80xf32, #tpu.memory_space<vmem>>, %arg20: memref<640xf32, #tpu.memory_space<vmem>>, %arg21: memref<!tpu.dma_semaphore, #tpu.memory_space<semaphore_mem>>, %arg22: memref<!tpu.dma_semaphore, #tpu.memory_space<semaphore_mem>>, %arg23: memref<!tpu.dma_semaphore, #tpu.memory_space<semaphore_mem>>, %arg24: memref<!tpu.dma_semaphore, #tpu.memory_space<semaphore_mem>>, %arg25: memref<!tpu.dma_semaphore, #tpu.memory_space<semaphore_mem>>, %arg26: memref<!tpu.dma_semaphore, #tpu.memory_space<semaphore_mem>>, %arg27: memref<!tpu.dma_semaphore, #tpu.memory_space<semaphore_mem>>) attributes {dimension_semantics = [#tpu.dimension_semantics<core_parallel>, #tpu.dimension_semantics<subcore_parallel>], iteration_bounds = array<i64: 2, 16>, scalar_prefetch = 0 : i64, scratch_operands = 17 : i64, tpu.core_type = #tpu.core_type<sc_vector_subcore>, window_params = [{transform_indices = #map}, {transform_indices = #map1}, {transform_indices = #map1}, {transform_indices = #map}, {transform_indices = #map1}, {transform_indices = #map}, {transform_indices = #map}, {transform_indices = #map1}, {transform_indices = #map1}]} {
    "tpu.region"() ({
      %run_scoped3A = tpu.sem_alloc : memref<!tpu.dma_semaphore, #tpu.memory_space<semaphore_mem>>
      tpu.enqueue_dma source(%arg6 : memref<640xf32, #tpu.memory_space<hbm>>) target(%arg20 : memref<640xf32, #tpu.memory_space<vmem>>) target_semaphore(%run_scoped3A : memref<!tpu.dma_semaphore, #tpu.memory_space<semaphore_mem>>)
      tpu.wait_dma2 semaphore(%run_scoped3A : memref<!tpu.dma_semaphore, #tpu.memory_space<semaphore_mem>>) src(%arg6 : memref<640xf32, #tpu.memory_space<hbm>>) dst(%arg20 : memref<640xf32, #tpu.memory_space<vmem>>)
      tpu.yield
    }) : () -> ()
    %lt3A = arith.constant 15 : i32
    %lt3A_0 = arith.cmpi slt, %arg1, %lt3A : i32
    %convert_element_type3A = arith.extui %lt3A_0 : i1 to i32
    %cond3A = arith.constant 0 : i32
    %cond3A_1 = arith.cmpi ne, %convert_element_type3A, %cond3A : i32
    scf.if %cond3A_1 {
      %mul3A_98 = arith.constant 624 : i32
      %mul3A_99 = arith.muli %arg1, %mul3A_98 : i32
      %multiple_of3A = tpu.assume_multiple %mul3A_99, 8 : i32
      "tpu.region"() ({
        %run_scoped3A = tpu.sem_alloc : memref<!tpu.dma_semaphore, #tpu.memory_space<semaphore_mem>>
        %dma_start3A_100 = arith.constant 0 : i32
        %dma_start3A_101 = tpu.memref_slice %arg11[%multiple_of3A, %dma_start3A_100] : memref<10000x128xf32, #tpu.memory_space<vmem_shared>> -> memref<624x128xf32, #tpu.memory_space<vmem_shared>>
        %dma_start3A_102 = arith.constant 0 : i32
        %dma_start3A_103 = arith.constant 0 : i32
        %dma_start3A_104 = tpu.memref_slice %arg5[%dma_start3A_102, %dma_start3A_103] : memref<640x128xf32, #tpu.memory_space<hbm>> -> memref<624x128xf32, #tpu.memory_space<hbm>>
        tpu.enqueue_dma source(%dma_start3A_104 : memref<624x128xf32, #tpu.memory_space<hbm>>) target(%dma_start3A_101 : memref<624x128xf32, #tpu.memory_space<vmem_shared>>) target_semaphore(%run_scoped3A : memref<!tpu.dma_semaphore, #tpu.memory_space<semaphore_mem>>)
        %dma_wait3A_105 = arith.constant 0 : i32
        %dma_wait3A_106 = tpu.memref_slice %arg11[%multiple_of3A, %dma_wait3A_105] : memref<10000x128xf32, #tpu.memory_space<vmem_shared>> -> memref<624x128xf32, #tpu.memory_space<vmem_shared>>
        %dma_wait3A_107 = arith.constant 0 : i32
        %dma_wait3A_108 = arith.constant 0 : i32
        %dma_wait3A_109 = tpu.memref_slice %arg5[%dma_wait3A_107, %dma_wait3A_108] : memref<640x128xf32, #tpu.memory_space<hbm>> -> memref<624x128xf32, #tpu.memory_space<hbm>>
        tpu.wait_dma2 semaphore(%run_scoped3A : memref<!tpu.dma_semaphore, #tpu.memory_space<semaphore_mem>>) src(%dma_wait3A_109 : memref<624x128xf32, #tpu.memory_space<hbm>>) dst(%dma_wait3A_106 : memref<624x128xf32, #tpu.memory_space<vmem_shared>>)
        tpu.yield
      }) : () -> ()
      "tpu.region"() ({
        %run_scoped3A = tpu.sem_alloc : memref<!tpu.dma_semaphore, #tpu.memory_space<semaphore_mem>>
        %dma_start3A_100 = arith.constant 0 : i32
        %dma_start3A_101 = tpu.memref_slice %arg20[%dma_start3A_100] : memref<640xf32, #tpu.memory_space<vmem>> -> memref<624xf32, #tpu.memory_space<vmem>>
        %dma_start3A_102 = tpu.memref_slice %arg12[%multiple_of3A] : memref<10000xf32, #tpu.memory_space<vmem_shared>> -> memref<624xf32, #tpu.memory_space<vmem_shared>>
        %dma_start3A_103 = tpu.memref_slice %arg12[%multiple_of3A] : memref<10000xf32, #tpu.memory_space<vmem_shared>> -> memref<624xf32, #tpu.memory_space<vmem_shared>>
        %dma_start3A_104 = arith.constant 0 : i32
        %dma_start3A_105 = tpu.memref_slice %arg20[%dma_start3A_104] : memref<640xf32, #tpu.memory_space<vmem>> -> memref<624xf32, #tpu.memory_space<vmem>>
        tpu.enqueue_dma source(%dma_start3A_105 : memref<624xf32, #tpu.memory_space<vmem>>) target(%dma_start3A_103 : memref<624xf32, #tpu.memory_space<vmem_shared>>) target_semaphore(%run_scoped3A : memref<!tpu.dma_semaphore, #tpu.memory_space<semaphore_mem>>)
        %dma_wait3A_106 = arith.constant 0 : i32
        %dma_wait3A_107 = tpu.memref_slice %arg20[%dma_wait3A_106] : memref<640xf32, #tpu.memory_space<vmem>> -> memref<624xf32, #tpu.memory_space<vmem>>
        %dma_wait3A_108 = tpu.memref_slice %arg12[%multiple_of3A] : memref<10000xf32, #tpu.memory_space<vmem_shared>> -> memref<624xf32, #tpu.memory_space<vmem_shared>>
        %dma_wait3A_109 = tpu.memref_slice %arg12[%multiple_of3A] : memref<10000xf32, #tpu.memory_space<vmem_shared>> -> memref<624xf32, #tpu.memory_space<vmem_shared>>
        %dma_wait3A_110 = arith.constant 0 : i32
        %dma_wait3A_111 = tpu.memref_slice %arg20[%dma_wait3A_110] : memref<640xf32, #tpu.memory_space<vmem>> -> memref<624xf32, #tpu.memory_space<vmem>>
        tpu.wait_dma2 semaphore(%run_scoped3A : memref<!tpu.dma_semaphore, #tpu.memory_space<semaphore_mem>>) src(%dma_wait3A_111 : memref<624xf32, #tpu.memory_space<vmem>>) dst(%dma_wait3A_109 : memref<624xf32, #tpu.memory_space<vmem_shared>>)
        tpu.yield
      }) : () -> ()
    } else {
    }
    %eq3A = arith.constant 15 : i32
    %eq3A_2 = arith.cmpi eq, %arg1, %eq3A : i32
    %convert_element_type3A_3 = arith.extui %eq3A_2 : i1 to i32
    %cond3A_4 = arith.constant 0 : i32
    %cond3A_5 = arith.cmpi ne, %convert_element_type3A_3, %cond3A_4 : i32
    scf.if %cond3A_5 {
      "tpu.region"() ({
        %run_scoped3A = tpu.sem_alloc : memref<!tpu.dma_semaphore, #tpu.memory_space<semaphore_mem>>
        %dma_start3A_98 = arith.constant 9360 : i32
        %dma_start3A_99 = arith.constant 0 : i32
        %dma_start3A_100 = tpu.memref_slice %arg11[%dma_start3A_98, %dma_start3A_99] : memref<10000x128xf32, #tpu.memory_space<vmem_shared>> -> memref<640x128xf32, #tpu.memory_space<vmem_shared>>
        tpu.enqueue_dma source(%arg5 : memref<640x128xf32, #tpu.memory_space<hbm>>) target(%dma_start3A_100 : memref<640x128xf32, #tpu.memory_space<vmem_shared>>) target_semaphore(%run_scoped3A : memref<!tpu.dma_semaphore, #tpu.memory_space<semaphore_mem>>)
        %dma_wait3A_101 = arith.constant 9360 : i32
        %dma_wait3A_102 = arith.constant 0 : i32
        %dma_wait3A_103 = tpu.memref_slice %arg11[%dma_wait3A_101, %dma_wait3A_102] : memref<10000x128xf32, #tpu.memory_space<vmem_shared>> -> memref<640x128xf32, #tpu.memory_space<vmem_shared>>
        tpu.wait_dma2 semaphore(%run_scoped3A : memref<!tpu.dma_semaphore, #tpu.memory_space<semaphore_mem>>) src(%arg5 : memref<640x128xf32, #tpu.memory_space<hbm>>) dst(%dma_wait3A_103 : memref<640x128xf32, #tpu.memory_space<vmem_shared>>)
        tpu.yield
      }) : () -> ()
      "tpu.region"() ({
        %run_scoped3A = tpu.sem_alloc : memref<!tpu.dma_semaphore, #tpu.memory_space<semaphore_mem>>
        %dma_start3A_98 = arith.constant 9360 : i32
        %dma_start3A_99 = tpu.memref_slice %arg12[%dma_start3A_98] : memref<10000xf32, #tpu.memory_space<vmem_shared>> -> memref<640xf32, #tpu.memory_space<vmem_shared>>
        %dma_start3A_100 = arith.constant 9360 : i32
        %dma_start3A_101 = tpu.memref_slice %arg12[%dma_start3A_100] : memref<10000xf32, #tpu.memory_space<vmem_shared>> -> memref<640xf32, #tpu.memory_space<vmem_shared>>
        tpu.enqueue_dma source(%arg20 : memref<640xf32, #tpu.memory_space<vmem>>) target(%dma_start3A_101 : memref<640xf32, #tpu.memory_space<vmem_shared>>) target_semaphore(%run_scoped3A : memref<!tpu.dma_semaphore, #tpu.memory_space<semaphore_mem>>)
        %dma_wait3A_102 = arith.constant 9360 : i32
        %dma_wait3A_103 = tpu.memref_slice %arg12[%dma_wait3A_102] : memref<10000xf32, #tpu.memory_space<vmem_shared>> -> memref<640xf32, #tpu.memory_space<vmem_shared>>
        %dma_wait3A_104 = arith.constant 9360 : i32
        %dma_wait3A_105 = tpu.memref_slice %arg12[%dma_wait3A_104] : memref<10000xf32, #tpu.memory_space<vmem_shared>> -> memref<640xf32, #tpu.memory_space<vmem_shared>>
        tpu.wait_dma2 semaphore(%run_scoped3A : memref<!tpu.dma_semaphore, #tpu.memory_space<semaphore_mem>>) src(%arg20 : memref<640xf32, #tpu.memory_space<vmem>>) dst(%dma_wait3A_105 : memref<640xf32, #tpu.memory_space<vmem_shared>>)
        tpu.yield
      }) : () -> ()
    } else {
    }
    %broadcast_in_dim3A = arith.constant 1.000000e+00 : f32
    %broadcast_in_dim3A_6 = vector.broadcast %broadcast_in_dim3A : f32 to vector<16xf32>
    %swap3A = arith.constant 0 : index
    %swap3A_7 = tpu.vector_load %arg19[%swap3A] {strides = array<i32>} : memref<80xf32, #tpu.memory_space<vmem>>, vector<16xf32>,
    %swap3A_8 = vector.shape_cast %swap3A_7 : vector<16xf32> to vector<16xf32>
    %swap3A_9 = vector.shape_cast %broadcast_in_dim3A_6 : vector<16xf32> to vector<16xf32>
    tpu.vector_store %arg19[%swap3A], %swap3A_9 {strides = array<i32>} : memref<80xf32, #tpu.memory_space<vmem>>, vector<16xf32>,
    %broadcast_in_dim3A_10 = arith.constant 1.000000e+00 : f32
    %broadcast_in_dim3A_11 = vector.broadcast %broadcast_in_dim3A_10 : f32 to vector<16xf32>
    %swap3A_12 = arith.constant 16 : index
    %swap3A_13 = tpu.vector_load %arg19[%swap3A_12] {strides = array<i32>} : memref<80xf32, #tpu.memory_space<vmem>>, vector<16xf32>,
    %swap3A_14 = vector.shape_cast %swap3A_13 : vector<16xf32> to vector<16xf32>
    %swap3A_15 = vector.shape_cast %broadcast_in_dim3A_11 : vector<16xf32> to vector<16xf32>
    tpu.vector_store %arg19[%swap3A_12], %swap3A_15 {strides = array<i32>} : memref<80xf32, #tpu.memory_space<vmem>>, vector<16xf32>,
    %broadcast_in_dim3A_16 = arith.constant 1.000000e+00 : f32
    %broadcast_in_dim3A_17 = vector.broadcast %broadcast_in_dim3A_16 : f32 to vector<16xf32>
    %swap3A_18 = arith.constant 32 : index
    %swap3A_19 = tpu.vector_load %arg19[%swap3A_18] {strides = array<i32>} : memref<80xf32, #tpu.memory_space<vmem>>, vector<16xf32>,
    %swap3A_20 = vector.shape_cast %swap3A_19 : vector<16xf32> to vector<16xf32>
    %swap3A_21 = vector.shape_cast %broadcast_in_dim3A_17 : vector<16xf32> to vector<16xf32>
    tpu.vector_store %arg19[%swap3A_18], %swap3A_21 {strides = array<i32>} : memref<80xf32, #tpu.memory_space<vmem>>, vector<16xf32>,
    %broadcast_in_dim3A_22 = arith.constant 1.000000e+00 : f32
    %broadcast_in_dim3A_23 = vector.broadcast %broadcast_in_dim3A_22 : f32 to vector<16xf32>
    %swap3A_24 = arith.constant 48 : index
    %swap3A_25 = tpu.vector_load %arg19[%swap3A_24] {strides = array<i32>} : memref<80xf32, #tpu.memory_space<vmem>>, vector<16xf32>,
    %swap3A_26 = vector.shape_cast %swap3A_25 : vector<16xf32> to vector<16xf32>
    %swap3A_27 = vector.shape_cast %broadcast_in_dim3A_23 : vector<16xf32> to vector<16xf32>
    tpu.vector_store %arg19[%swap3A_24], %swap3A_27 {strides = array<i32>} : memref<80xf32, #tpu.memory_space<vmem>>, vector<16xf32>,
    %broadcast_in_dim3A_28 = arith.constant 1.000000e+00 : f32
    %broadcast_in_dim3A_29 = vector.broadcast %broadcast_in_dim3A_28 : f32 to vector<16xf32>
    %swap3A_30 = arith.constant 64 : index
    %swap3A_31 = tpu.vector_load %arg19[%swap3A_30] {strides = array<i32>} : memref<80xf32, #tpu.memory_space<vmem>>, vector<16xf32>,
    %swap3A_32 = vector.shape_cast %swap3A_31 : vector<16xf32> to vector<16xf32>
    %swap3A_33 = vector.shape_cast %broadcast_in_dim3A_29 : vector<16xf32> to vector<16xf32>
    tpu.vector_store %arg19[%swap3A_30], %swap3A_33 {strides = array<i32>} : memref<80xf32, #tpu.memory_space<vmem>>, vector<16xf32>,
    %mul3A = arith.constant 160000 : i32
    %mul3A_34 = arith.muli %arg0, %mul3A : i32
    %mul3A_35 = arith.constant 10000 : i32
    %mul3A_36 = arith.muli %arg1, %mul3A_35 : i32
    %add3A = arith.addi %mul3A_34, %mul3A_36 : i32
    %barrier3A = arith.constant 0 : index
    tpu.barrier barrier_id(%barrier3A)
    %add3A_37 = arith.constant 0 : i32
    %add3A_38 = arith.addi %add3A, %add3A_37 : i32
    %dma_start3A = tpu.memref_slice %arg3[%add3A_38] : memref<320000xi32, #tpu.memory_space<hbm>> -> memref<80xi32, #tpu.memory_space<hbm>>
    %dma_start3A_39 = tpu.memref_slice %arg3[%add3A_38] : memref<320000xi32, #tpu.memory_space<hbm>> -> memref<80xi32, #tpu.memory_space<hbm>>
    tpu.enqueue_dma source(%dma_start3A_39 : memref<80xi32, #tpu.memory_space<hbm>>) target(%arg13 : memref<80xi32, #tpu.memory_space<vmem>>) target_semaphore(%arg23 : memref<!tpu.dma_semaphore, #tpu.memory_space<semaphore_mem>>)
    %mul3A_40 = arith.constant 10000 : i32
    %mul3A_41 = arith.muli %arg1, %mul3A_40 : i32
    %add3A_42 = arith.constant 0 : i32
    %add3A_43 = arith.addi %mul3A_41, %add3A_42 : i32
    %dma_start3A_44 = tpu.memref_slice %arg4[%add3A_43] : memref<160000xi32, #tpu.memory_space<hbm>> -> memref<80xi32, #tpu.memory_space<hbm>>
    %dma_start3A_45 = tpu.memref_slice %arg4[%add3A_43] : memref<160000xi32, #tpu.memory_space<hbm>> -> memref<80xi32, #tpu.memory_space<hbm>>
    tpu.enqueue_dma source(%dma_start3A_45 : memref<80xi32, #tpu.memory_space<hbm>>) target(%arg15 : memref<80xi32, #tpu.memory_space<vmem>>) target_semaphore(%arg25 : memref<!tpu.dma_semaphore, #tpu.memory_space<semaphore_mem>>)
    %dma_wait3A = arith.constant 0 : i32
    %dma_wait3A_46 = tpu.memref_slice %arg3[%dma_wait3A] : memref<320000xi32, #tpu.memory_space<hbm>> -> memref<80xi32, #tpu.memory_space<hbm>>
    %dma_wait3A_47 = arith.constant 0 : i32
    %dma_wait3A_48 = tpu.memref_slice %arg3[%dma_wait3A_47] : memref<320000xi32, #tpu.memory_space<hbm>> -> memref<80xi32, #tpu.memory_space<hbm>>
    tpu.wait_dma2 semaphore(%arg23 : memref<!tpu.dma_semaphore, #tpu.memory_space<semaphore_mem>>) src(%dma_wait3A_48 : memref<80xi32, #tpu.memory_space<hbm>>) dst(%arg13 : memref<80xi32, #tpu.memory_space<vmem>>)
    %dma_start3A_49 = arith.constant 0 : i32
    %dma_start3A_50 = arith.constant 0 : i32
    %dma_start3A_51 = tpu.memref_slice %arg2[%dma_start3A_49, %dma_start3A_50] : memref<20000x128xf32, #tpu.memory_space<hbm>> -> memref<20000x128xf32, #tpu.memory_space<hbm>>
    tpu.enqueue_indirect_dma source(%dma_start3A_51 : memref<20000x128xf32, #tpu.memory_space<hbm>>) target(%arg17 : memref<80x128xf32, #tpu.memory_space<vmem>>) offsets(%arg13 : memref<80xi32, #tpu.memory_space<vmem>>) semaphore(%arg21 : memref<!tpu.dma_semaphore, #tpu.memory_space<semaphore_mem>>)
    %add3A_52 = arith.constant 80 : i32
    %add3A_53 = arith.addi %add3A, %add3A_52 : i32
    %dma_start3A_54 = tpu.memref_slice %arg3[%add3A_53] : memref<320000xi32, #tpu.memory_space<hbm>> -> memref<80xi32, #tpu.memory_space<hbm>>
    %dma_start3A_55 = tpu.memref_slice %arg3[%add3A_53] : memref<320000xi32, #tpu.memory_space<hbm>> -> memref<80xi32, #tpu.memory_space<hbm>>
    tpu.enqueue_dma source(%dma_start3A_55 : memref<80xi32, #tpu.memory_space<hbm>>) target(%arg14 : memref<80xi32, #tpu.memory_space<vmem>>) target_semaphore(%arg24 : memref<!tpu.dma_semaphore, #tpu.memory_space<semaphore_mem>>)
    %mul3A_56 = arith.constant 10000 : i32
    %mul3A_57 = arith.muli %arg1, %mul3A_56 : i32
    %add3A_58 = arith.constant 80 : i32
    %add3A_59 = arith.addi %mul3A_57, %add3A_58 : i32
    %dma_start3A_60 = tpu.memref_slice %arg4[%add3A_59] : memref<160000xi32, #tpu.memory_space<hbm>> -> memref<80xi32, #tpu.memory_space<hbm>>
    %dma_start3A_61 = tpu.memref_slice %arg4[%add3A_59] : memref<160000xi32, #tpu.memory_space<hbm>> -> memref<80xi32, #tpu.memory_space<hbm>>
    tpu.enqueue_dma source(%dma_start3A_61 : memref<80xi32, #tpu.memory_space<hbm>>) target(%arg16 : memref<80xi32, #tpu.memory_space<vmem>>) target_semaphore(%arg26 : memref<!tpu.dma_semaphore, #tpu.memory_space<semaphore_mem>>)
    %scan3A = arith.constant 0 : i32
    %scan3A_62 = arith.constant 0 : i32
    %scan3A_63 = arith.constant 62 : i32
    %scan3A_64 = arith.addi %scan3A_62, %scan3A_63 : i32
    %scan3A_65 = arith.constant 1 : i32
    scf.for %scan3A_98 = %scan3A_62 to %scan3A_64 step %scan3A_65  : i32 {
      %mul3A_99 = arith.constant 2 : i32
      %mul3A_100 = arith.muli %mul3A_99, %scan3A_98 : i32
      %dma_wait3A_101 = arith.constant 0 : i32
      %dma_wait3A_102 = tpu.memref_slice %arg3[%dma_wait3A_101] : memref<320000xi32, #tpu.memory_space<hbm>> -> memref<80xi32, #tpu.memory_space<hbm>>
      %dma_wait3A_103 = arith.constant 0 : i32
      %dma_wait3A_104 = tpu.memref_slice %arg3[%dma_wait3A_103] : memref<320000xi32, #tpu.memory_space<hbm>> -> memref<80xi32, #tpu.memory_space<hbm>>
      tpu.wait_dma2 semaphore(%arg24 : memref<!tpu.dma_semaphore, #tpu.memory_space<semaphore_mem>>) src(%dma_wait3A_104 : memref<80xi32, #tpu.memory_space<hbm>>) dst(%arg14 : memref<80xi32, #tpu.memory_space<vmem>>)
      %dma_start3A_105 = arith.constant 0 : i32
      %dma_start3A_106 = arith.constant 0 : i32
      %dma_start3A_107 = tpu.memref_slice %arg2[%dma_start3A_105, %dma_start3A_106] : memref<20000x128xf32, #tpu.memory_space<hbm>> -> memref<20000x128xf32, #tpu.memory_space<hbm>>
      tpu.enqueue_indirect_dma source(%dma_start3A_107 : memref<20000x128xf32, #tpu.memory_space<hbm>>) target(%arg18 : memref<80x128xf32, #tpu.memory_space<vmem>>) offsets(%arg14 : memref<80xi32, #tpu.memory_space<vmem>>) semaphore(%arg22 : memref<!tpu.dma_semaphore, #tpu.memory_space<semaphore_mem>>)
      %dma_wait3A_108 = arith.constant 0 : i32
      %dma_wait3A_109 = arith.constant 0 : i32
      %dma_wait3A_110 = tpu.memref_slice %arg2[%dma_wait3A_108, %dma_wait3A_109] : memref<20000x128xf32, #tpu.memory_space<hbm>> -> memref<80x128xf32, #tpu.memory_space<hbm>>
      %dma_wait3A_111 = arith.constant 0 : i32
      %dma_wait3A_112 = arith.constant 0 : i32
      %dma_wait3A_113 = tpu.memref_slice %arg2[%dma_wait3A_111, %dma_wait3A_112] : memref<20000x128xf32, #tpu.memory_space<hbm>> -> memref<80x128xf32, #tpu.memory_space<hbm>>
      tpu.wait_dma2 semaphore(%arg21 : memref<!tpu.dma_semaphore, #tpu.memory_space<semaphore_mem>>) src(%dma_wait3A_113 : memref<80x128xf32, #tpu.memory_space<hbm>>) dst(%arg17 : memref<80x128xf32, #tpu.memory_space<vmem>>)
      %add3A_114 = arith.constant 2 : i32
      %add3A_115 = arith.addi %mul3A_100, %add3A_114 : i32
      %mul3A_116 = arith.constant 80 : i32
      %mul3A_117 = arith.muli %add3A_115, %mul3A_116 : i32
      %add3A_118 = arith.addi %add3A, %mul3A_117 : i32
      %dma_start3A_119 = tpu.memref_slice %arg3[%add3A_118] : memref<320000xi32, #tpu.memory_space<hbm>> -> memref<80xi32, #tpu.memory_space<hbm>>
      %dma_start3A_120 = tpu.memref_slice %arg3[%add3A_118] : memref<320000xi32, #tpu.memory_space<hbm>> -> memref<80xi32, #tpu.memory_space<hbm>>
      tpu.enqueue_dma source(%dma_start3A_120 : memref<80xi32, #tpu.memory_space<hbm>>) target(%arg13 : memref<80xi32, #tpu.memory_space<vmem>>) target_semaphore(%arg23 : memref<!tpu.dma_semaphore, #tpu.memory_space<semaphore_mem>>)
      %dma_wait3A_121 = arith.constant 0 : i32
      %dma_wait3A_122 = tpu.memref_slice %arg4[%dma_wait3A_121] : memref<160000xi32, #tpu.memory_space<hbm>> -> memref<80xi32, #tpu.memory_space<hbm>>
      %dma_wait3A_123 = arith.constant 0 : i32
      %dma_wait3A_124 = tpu.memref_slice %arg4[%dma_wait3A_123] : memref<160000xi32, #tpu.memory_space<hbm>> -> memref<80xi32, #tpu.memory_space<hbm>>
      tpu.wait_dma2 semaphore(%arg25 : memref<!tpu.dma_semaphore, #tpu.memory_space<semaphore_mem>>) src(%dma_wait3A_124 : memref<80xi32, #tpu.memory_space<hbm>>) dst(%arg15 : memref<80xi32, #tpu.memory_space<vmem>>)
      %eq3A_125 = arith.constant 0 : i32
      %eq3A_126 = arith.cmpi eq, %arg0, %eq3A_125 : i32
      %convert_element_type3A_127 = arith.extui %eq3A_126 : i1 to i32
      %cond3A_128 = arith.constant 0 : i32
      %cond3A_129 = arith.cmpi ne, %convert_element_type3A_127, %cond3A_128 : i32
      scf.if %cond3A_129 {
        %dma_start3A_185 = arith.constant 0 : i32
        %dma_start3A_186 = tpu.memref_slice %arg12[%dma_start3A_185] : memref<10000xf32, #tpu.memory_space<vmem_shared>> -> memref<10000xf32, #tpu.memory_space<vmem_shared>>
        tpu.enqueue_indirect_dma source(%arg19 : memref<80xf32, #tpu.memory_space<vmem>>) target(%dma_start3A_186 : memref<10000xf32, #tpu.memory_space<vmem_shared>>) offsets(%arg15 : memref<80xi32, #tpu.memory_space<vmem>>) semaphore(%arg27 : memref<!tpu.dma_semaphore, #tpu.memory_space<semaphore_mem>>) {add = true}
      } else {
      }
      "tpu.region"() ({
        %run_scoped3A = tpu.sem_alloc : memref<!tpu.dma_semaphore, #tpu.memory_space<semaphore_mem>>
        %dma_start3A_185 = arith.constant 0 : i32
        %dma_start3A_186 = arith.constant 0 : i32
        %dma_start3A_187 = tpu.memref_slice %arg11[%dma_start3A_185, %dma_start3A_186] : memref<10000x128xf32, #tpu.memory_space<vmem_shared>> -> memref<10000x128xf32, #tpu.memory_space<vmem_shared>>
        tpu.enqueue_indirect_dma source(%arg17 : memref<80x128xf32, #tpu.memory_space<vmem>>) target(%dma_start3A_187 : memref<10000x128xf32, #tpu.memory_space<vmem_shared>>) offsets(%arg15 : memref<80xi32, #tpu.memory_space<vmem>>) semaphore(%run_scoped3A : memref<!tpu.dma_semaphore, #tpu.memory_space<semaphore_mem>>) {add = true}
        %dma_wait3A_188 = arith.constant 0 : i32
        %dma_wait3A_189 = arith.constant 0 : i32
        %dma_wait3A_190 = tpu.memref_slice %arg11[%dma_wait3A_188, %dma_wait3A_189] : memref<10000x128xf32, #tpu.memory_space<vmem_shared>> -> memref<10000x128xf32, #tpu.memory_space<vmem_shared>>
        tpu.wait_indirect_dma semaphore(%run_scoped3A : memref<!tpu.dma_semaphore, #tpu.memory_space<semaphore_mem>>) src(%arg17 : memref<80x128xf32, #tpu.memory_space<vmem>>) dst(%dma_wait3A_190 : memref<10000x128xf32, #tpu.memory_space<vmem_shared>>)
        tpu.yield
      }) : () -> ()
      %eq3A_130 = arith.constant 0 : i32
      %eq3A_131 = arith.cmpi eq, %arg0, %eq3A_130 : i32
      %convert_element_type3A_132 = arith.extui %eq3A_131 : i1 to i32
      %cond3A_133 = arith.constant 0 : i32
      %cond3A_134 = arith.cmpi ne, %convert_element_type3A_132, %cond3A_133 : i32
      scf.if %cond3A_134 {
        %dma_wait3A_185 = arith.constant 0 : i32
        %dma_wait3A_186 = tpu.memref_slice %arg12[%dma_wait3A_185] : memref<10000xf32, #tpu.memory_space<vmem_shared>> -> memref<80xf32, #tpu.memory_space<vmem_shared>>
        %dma_wait3A_187 = arith.constant 0 : i32
        %dma_wait3A_188 = tpu.memref_slice %arg12[%dma_wait3A_187] : memref<10000xf32, #tpu.memory_space<vmem_shared>> -> memref<80xf32, #tpu.memory_space<vmem_shared>>
        tpu.wait_dma2 semaphore(%arg27 : memref<!tpu.dma_semaphore, #tpu.memory_space<semaphore_mem>>) src(%arg19 : memref<80xf32, #tpu.memory_space<vmem>>) dst(%dma_wait3A_188 : memref<80xf32, #tpu.memory_space<vmem_shared>>)
      } else {
      }
      %add3A_135 = arith.constant 2 : i32
      %add3A_136 = arith.addi %mul3A_100, %add3A_135 : i32
      %mul3A_137 = arith.constant 10000 : i32
      %mul3A_138 = arith.muli %arg1, %mul3A_137 : i32
      %mul3A_139 = arith.constant 80 : i32
      %mul3A_140 = arith.muli %add3A_136, %mul3A_139 : i32
      %add3A_141 = arith.addi %mul3A_138, %mul3A_140 : i32
      %dma_start3A_142 = tpu.memref_slice %arg4[%add3A_141] : memref<160000xi32, #tpu.memory_space<hbm>> -> memref<80xi32, #tpu.memory_space<hbm>>
      %dma_start3A_143 = tpu.memref_slice %arg4[%add3A_141] : memref<160000xi32, #tpu.memory_space<hbm>> -> memref<80xi32, #tpu.memory_space<hbm>>
      tpu.enqueue_dma source(%dma_start3A_143 : memref<80xi32, #tpu.memory_space<hbm>>) target(%arg15 : memref<80xi32, #tpu.memory_space<vmem>>) target_semaphore(%arg25 : memref<!tpu.dma_semaphore, #tpu.memory_space<semaphore_mem>>)
      %dma_wait3A_144 = arith.constant 0 : i32
      %dma_wait3A_145 = tpu.memref_slice %arg3[%dma_wait3A_144] : memref<320000xi32, #tpu.memory_space<hbm>> -> memref<80xi32, #tpu.memory_space<hbm>>
      %dma_wait3A_146 = arith.constant 0 : i32
      %dma_wait3A_147 = tpu.memref_slice %arg3[%dma_wait3A_146] : memref<320000xi32, #tpu.memory_space<hbm>> -> memref<80xi32, #tpu.memory_space<hbm>>
      tpu.wait_dma2 semaphore(%arg23 : memref<!tpu.dma_semaphore, #tpu.memory_space<semaphore_mem>>) src(%dma_wait3A_147 : memref<80xi32, #tpu.memory_space<hbm>>) dst(%arg13 : memref<80xi32, #tpu.memory_space<vmem>>)
      %dma_start3A_148 = arith.constant 0 : i32
      %dma_start3A_149 = arith.constant 0 : i32
      %dma_start3A_150 = tpu.memref_slice %arg2[%dma_start3A_148, %dma_start3A_149] : memref<20000x128xf32, #tpu.memory_space<hbm>> -> memref<20000x128xf32, #tpu.memory_space<hbm>>
      tpu.enqueue_indirect_dma source(%dma_start3A_150 : memref<20000x128xf32, #tpu.memory_space<hbm>>) target(%arg17 : memref<80x128xf32, #tpu.memory_space<vmem>>) offsets(%arg13 : memref<80xi32, #tpu.memory_space<vmem>>) semaphore(%arg21 : memref<!tpu.dma_semaphore, #tpu.memory_space<semaphore_mem>>)
      %dma_wait3A_151 = arith.constant 0 : i32
      %dma_wait3A_152 = arith.constant 0 : i32
      %dma_wait3A_153 = tpu.memref_slice %arg2[%dma_wait3A_151, %dma_wait3A_152] : memref<20000x128xf32, #tpu.memory_space<hbm>> -> memref<80x128xf32, #tpu.memory_space<hbm>>
      %dma_wait3A_154 = arith.constant 0 : i32
      %dma_wait3A_155 = arith.constant 0 : i32
      %dma_wait3A_156 = tpu.memref_slice %arg2[%dma_wait3A_154, %dma_wait3A_155] : memref<20000x128xf32, #tpu.memory_space<hbm>> -> memref<80x128xf32, #tpu.memory_space<hbm>>
      tpu.wait_dma2 semaphore(%arg22 : memref<!tpu.dma_semaphore, #tpu.memory_space<semaphore_mem>>) src(%dma_wait3A_156 : memref<80x128xf32, #tpu.memory_space<hbm>>) dst(%arg18 : memref<80x128xf32, #tpu.memory_space<vmem>>)
      %add3A_157 = arith.constant 3 : i32
      %add3A_158 = arith.addi %mul3A_100, %add3A_157 : i32
      %lt3A_159 = arith.constant 125 : i32
      %lt3A_160 = arith.cmpi slt, %add3A_158, %lt3A_159 : i32
      %convert_element_type3A_161 = arith.extui %lt3A_160 : i1 to i32
      %cond3A_162 = arith.constant 0 : i32
      %cond3A_163 = arith.cmpi ne, %convert_element_type3A_161, %cond3A_162 : i32
      scf.if %cond3A_163 {
        %add3A_185 = arith.constant 3 : i32
        %add3A_186 = arith.addi %mul3A_100, %add3A_185 : i32
        %mul3A_187 = arith.constant 80 : i32
        %mul3A_188 = arith.muli %add3A_186, %mul3A_187 : i32
        %add3A_189 = arith.addi %add3A, %mul3A_188 : i32
        %dma_start3A_190 = tpu.memref_slice %arg3[%add3A_189] : memref<320000xi32, #tpu.memory_space<hbm>> -> memref<80xi32, #tpu.memory_space<hbm>>
        %dma_start3A_191 = tpu.memref_slice %arg3[%add3A_189] : memref<320000xi32, #tpu.memory_space<hbm>> -> memref<80xi32, #tpu.memory_space<hbm>>
        tpu.enqueue_dma source(%dma_start3A_191 : memref<80xi32, #tpu.memory_space<hbm>>) target(%arg14 : memref<80xi32, #tpu.memory_space<vmem>>) target_semaphore(%arg24 : memref<!tpu.dma_semaphore, #tpu.memory_space<semaphore_mem>>)
      } else {
      }
      %dma_wait3A_164 = arith.constant 0 : i32
      %dma_wait3A_165 = tpu.memref_slice %arg4[%dma_wait3A_164] : memref<160000xi32, #tpu.memory_space<hbm>> -> memref<80xi32, #tpu.memory_space<hbm>>
      %dma_wait3A_166 = arith.constant 0 : i32
      %dma_wait3A_167 = tpu.memref_slice %arg4[%dma_wait3A_166] : memref<160000xi32, #tpu.memory_space<hbm>> -> memref<80xi32, #tpu.memory_space<hbm>>
      tpu.wait_dma2 semaphore(%arg26 : memref<!tpu.dma_semaphore, #tpu.memory_space<semaphore_mem>>) src(%dma_wait3A_167 : memref<80xi32, #tpu.memory_space<hbm>>) dst(%arg16 : memref<80xi32, #tpu.memory_space<vmem>>)
      %eq3A_168 = arith.constant 1 : i32
      %eq3A_169 = arith.cmpi eq, %arg0, %eq3A_168 : i32
      %convert_element_type3A_170 = arith.extui %eq3A_169 : i1 to i32
      %cond3A_171 = arith.constant 0 : i32
      %cond3A_172 = arith.cmpi ne, %convert_element_type3A_170, %cond3A_171 : i32
      scf.if %cond3A_172 {
        %dma_start3A_185 = arith.constant 0 : i32
        %dma_start3A_186 = tpu.memref_slice %arg12[%dma_start3A_185] : memref<10000xf32, #tpu.memory_space<vmem_shared>> -> memref<10000xf32, #tpu.memory_space<vmem_shared>>
        tpu.enqueue_indirect_dma source(%arg19 : memref<80xf32, #tpu.memory_space<vmem>>) target(%dma_start3A_186 : memref<10000xf32, #tpu.memory_space<vmem_shared>>) offsets(%arg16 : memref<80xi32, #tpu.memory_space<vmem>>) semaphore(%arg27 : memref<!tpu.dma_semaphore, #tpu.memory_space<semaphore_mem>>) {add = true}
      } else {
      }
      "tpu.region"() ({
        %run_scoped3A = tpu.sem_alloc : memref<!tpu.dma_semaphore, #tpu.memory_space<semaphore_mem>>
        %dma_start3A_185 = arith.constant 0 : i32
        %dma_start3A_186 = arith.constant 0 : i32
        %dma_start3A_187 = tpu.memref_slice %arg11[%dma_start3A_185, %dma_start3A_186] : memref<10000x128xf32, #tpu.memory_space<vmem_shared>> -> memref<10000x128xf32, #tpu.memory_space<vmem_shared>>
        tpu.enqueue_indirect_dma source(%arg18 : memref<80x128xf32, #tpu.memory_space<vmem>>) target(%dma_start3A_187 : memref<10000x128xf32, #tpu.memory_space<vmem_shared>>) offsets(%arg16 : memref<80xi32, #tpu.memory_space<vmem>>) semaphore(%run_scoped3A : memref<!tpu.dma_semaphore, #tpu.memory_space<semaphore_mem>>) {add = true}
        %dma_wait3A_188 = arith.constant 0 : i32
        %dma_wait3A_189 = arith.constant 0 : i32
        %dma_wait3A_190 = tpu.memref_slice %arg11[%dma_wait3A_188, %dma_wait3A_189] : memref<10000x128xf32, #tpu.memory_space<vmem_shared>> -> memref<10000x128xf32, #tpu.memory_space<vmem_shared>>
        tpu.wait_indirect_dma semaphore(%run_scoped3A : memref<!tpu.dma_semaphore, #tpu.memory_space<semaphore_mem>>) src(%arg18 : memref<80x128xf32, #tpu.memory_space<vmem>>) dst(%dma_wait3A_190 : memref<10000x128xf32, #tpu.memory_space<vmem_shared>>)
        tpu.yield
      }) : () -> ()
      %eq3A_173 = arith.constant 1 : i32
      %eq3A_174 = arith.cmpi eq, %arg0, %eq3A_173 : i32
      %convert_element_type3A_175 = arith.extui %eq3A_174 : i1 to i32
      %cond3A_176 = arith.constant 0 : i32
      %cond3A_177 = arith.cmpi ne, %convert_element_type3A_175, %cond3A_176 : i32
      scf.if %cond3A_177 {
        %dma_wait3A_185 = arith.constant 0 : i32
        %dma_wait3A_186 = tpu.memref_slice %arg12[%dma_wait3A_185] : memref<10000xf32, #tpu.memory_space<vmem_shared>> -> memref<80xf32, #tpu.memory_space<vmem_shared>>
        %dma_wait3A_187 = arith.constant 0 : i32
        %dma_wait3A_188 = tpu.memref_slice %arg12[%dma_wait3A_187] : memref<10000xf32, #tpu.memory_space<vmem_shared>> -> memref<80xf32, #tpu.memory_space<vmem_shared>>
        tpu.wait_dma2 semaphore(%arg27 : memref<!tpu.dma_semaphore, #tpu.memory_space<semaphore_mem>>) src(%arg19 : memref<80xf32, #tpu.memory_space<vmem>>) dst(%dma_wait3A_188 : memref<80xf32, #tpu.memory_space<vmem_shared>>)
      } else {
      }
      %add3A_178 = arith.constant 3 : i32
      %add3A_179 = arith.addi %mul3A_100, %add3A_178 : i32
      %lt3A_180 = arith.constant 125 : i32
      %lt3A_181 = arith.cmpi slt, %add3A_179, %lt3A_180 : i32
      %convert_element_type3A_182 = arith.extui %lt3A_181 : i1 to i32
      %cond3A_183 = arith.constant 0 : i32
      %cond3A_184 = arith.cmpi ne, %convert_element_type3A_182, %cond3A_183 : i32
      scf.if %cond3A_184 {
        %add3A_185 = arith.constant 3 : i32
        %add3A_186 = arith.addi %mul3A_100, %add3A_185 : i32
        %mul3A_187 = arith.constant 10000 : i32
        %mul3A_188 = arith.muli %arg1, %mul3A_187 : i32
        %mul3A_189 = arith.constant 80 : i32
        %mul3A_190 = arith.muli %add3A_186, %mul3A_189 : i32
        %add3A_191 = arith.addi %mul3A_188, %mul3A_190 : i32
        %dma_start3A_192 = tpu.memref_slice %arg4[%add3A_191] : memref<160000xi32, #tpu.memory_space<hbm>> -> memref<80xi32, #tpu.memory_space<hbm>>
        %dma_start3A_193 = tpu.memref_slice %arg4[%add3A_191] : memref<160000xi32, #tpu.memory_space<hbm>> -> memref<80xi32, #tpu.memory_space<hbm>>
        tpu.enqueue_dma source(%dma_start3A_193 : memref<80xi32, #tpu.memory_space<hbm>>) target(%arg16 : memref<80xi32, #tpu.memory_space<vmem>>) target_semaphore(%arg26 : memref<!tpu.dma_semaphore, #tpu.memory_space<semaphore_mem>>)
      } else {
      }
    }
    %scan3A_66 = arith.constant 62 : i32
    %dma_wait3A_67 = arith.constant 0 : i32
    %dma_wait3A_68 = arith.constant 0 : i32
    %dma_wait3A_69 = tpu.memref_slice %arg2[%dma_wait3A_67, %dma_wait3A_68] : memref<20000x128xf32, #tpu.memory_space<hbm>> -> memref<80x128xf32, #tpu.memory_space<hbm>>
    %dma_wait3A_70 = arith.constant 0 : i32
    %dma_wait3A_71 = arith.constant 0 : i32
    %dma_wait3A_72 = tpu.memref_slice %arg2[%dma_wait3A_70, %dma_wait3A_71] : memref<20000x128xf32, #tpu.memory_space<hbm>> -> memref<80x128xf32, #tpu.memory_space<hbm>>
    tpu.wait_dma2 semaphore(%arg21 : memref<!tpu.dma_semaphore, #tpu.memory_space<semaphore_mem>>) src(%dma_wait3A_72 : memref<80x128xf32, #tpu.memory_space<hbm>>) dst(%arg17 : memref<80x128xf32, #tpu.memory_space<vmem>>)
    %dma_wait3A_73 = arith.constant 0 : i32
    %dma_wait3A_74 = tpu.memref_slice %arg4[%dma_wait3A_73] : memref<160000xi32, #tpu.memory_space<hbm>> -> memref<80xi32, #tpu.memory_space<hbm>>
    %dma_wait3A_75 = arith.constant 0 : i32
    %dma_wait3A_76 = tpu.memref_slice %arg4[%dma_wait3A_75] : memref<160000xi32, #tpu.memory_space<hbm>> -> memref<80xi32, #tpu.memory_space<hbm>>
    tpu.wait_dma2 semaphore(%arg25 : memref<!tpu.dma_semaphore, #tpu.memory_space<semaphore_mem>>) src(%dma_wait3A_76 : memref<80xi32, #tpu.memory_space<hbm>>) dst(%arg15 : memref<80xi32, #tpu.memory_space<vmem>>)
    %eq3A_77 = arith.constant 0 : i32
    %eq3A_78 = arith.cmpi eq, %arg0, %eq3A_77 : i32
    %convert_element_type3A_79 = arith.extui %eq3A_78 : i1 to i32
    %cond3A_80 = arith.constant 0 : i32
    %cond3A_81 = arith.cmpi ne, %convert_element_type3A_79, %cond3A_80 : i32
    scf.if %cond3A_81 {
      %dma_start3A_98 = arith.constant 0 : i32
      %dma_start3A_99 = tpu.memref_slice %arg12[%dma_start3A_98] : memref<10000xf32, #tpu.memory_space<vmem_shared>> -> memref<10000xf32, #tpu.memory_space<vmem_shared>>
      tpu.enqueue_indirect_dma source(%arg19 : memref<80xf32, #tpu.memory_space<vmem>>) target(%dma_start3A_99 : memref<10000xf32, #tpu.memory_space<vmem_shared>>) offsets(%arg15 : memref<80xi32, #tpu.memory_space<vmem>>) semaphore(%arg27 : memref<!tpu.dma_semaphore, #tpu.memory_space<semaphore_mem>>) {add = true}
    } else {
    }
    "tpu.region"() ({
      %run_scoped3A = tpu.sem_alloc : memref<!tpu.dma_semaphore, #tpu.memory_space<semaphore_mem>>
      %dma_start3A_98 = arith.constant 0 : i32
      %dma_start3A_99 = arith.constant 0 : i32
      %dma_start3A_100 = tpu.memref_slice %arg11[%dma_start3A_98, %dma_start3A_99] : memref<10000x128xf32, #tpu.memory_space<vmem_shared>> -> memref<10000x128xf32, #tpu.memory_space<vmem_shared>>
      tpu.enqueue_indirect_dma source(%arg17 : memref<80x128xf32, #tpu.memory_space<vmem>>) target(%dma_start3A_100 : memref<10000x128xf32, #tpu.memory_space<vmem_shared>>) offsets(%arg15 : memref<80xi32, #tpu.memory_space<vmem>>) semaphore(%run_scoped3A : memref<!tpu.dma_semaphore, #tpu.memory_space<semaphore_mem>>) {add = true}
      %dma_wait3A_101 = arith.constant 0 : i32
      %dma_wait3A_102 = arith.constant 0 : i32
      %dma_wait3A_103 = tpu.memref_slice %arg11[%dma_wait3A_101, %dma_wait3A_102] : memref<10000x128xf32, #tpu.memory_space<vmem_shared>> -> memref<10000x128xf32, #tpu.memory_space<vmem_shared>>
      tpu.wait_indirect_dma semaphore(%run_scoped3A : memref<!tpu.dma_semaphore, #tpu.memory_space<semaphore_mem>>) src(%arg17 : memref<80x128xf32, #tpu.memory_space<vmem>>) dst(%dma_wait3A_103 : memref<10000x128xf32, #tpu.memory_space<vmem_shared>>)
      tpu.yield
    }) : () -> ()
    %eq3A_82 = arith.constant 0 : i32
    %eq3A_83 = arith.cmpi eq, %arg0, %eq3A_82 : i32
    %convert_element_type3A_84 = arith.extui %eq3A_83 : i1 to i32
    %cond3A_85 = arith.constant 0 : i32
    %cond3A_86 = arith.cmpi ne, %convert_element_type3A_84, %cond3A_85 : i32
    scf.if %cond3A_86 {
      %dma_wait3A_98 = arith.constant 0 : i32
      %dma_wait3A_99 = tpu.memref_slice %arg12[%dma_wait3A_98] : memref<10000xf32, #tpu.memory_space<vmem_shared>> -> memref<80xf32, #tpu.memory_space<vmem_shared>>
      %dma_wait3A_100 = arith.constant 0 : i32
      %dma_wait3A_101 = tpu.memref_slice %arg12[%dma_wait3A_100] : memref<10000xf32, #tpu.memory_space<vmem_shared>> -> memref<80xf32, #tpu.memory_space<vmem_shared>>
      tpu.wait_dma2 semaphore(%arg27 : memref<!tpu.dma_semaphore, #tpu.memory_space<semaphore_mem>>) src(%arg19 : memref<80xf32, #tpu.memory_space<vmem>>) dst(%dma_wait3A_101 : memref<80xf32, #tpu.memory_space<vmem_shared>>)
    } else {
    }
    %barrier3A_87 = arith.constant 0 : index
    tpu.barrier barrier_id(%barrier3A_87)
    %eq3A_88 = arith.constant 0 : i32
    %eq3A_89 = arith.cmpi eq, %arg0, %eq3A_88 : i32
    %convert_element_type3A_90 = arith.extui %eq3A_89 : i1 to i32
    %cond3A_91 = arith.constant 0 : i32
    %cond3A_92 = arith.cmpi ne, %convert_element_type3A_90, %cond3A_91 : i32
    scf.if %cond3A_92 {
      %lt3A_98 = arith.constant 15 : i32
      %lt3A_99 = arith.cmpi slt, %arg1, %lt3A_98 : i32
      %convert_element_type3A_100 = arith.extui %lt3A_99 : i1 to i32
      %cond3A_101 = arith.constant 0 : i32
      %cond3A_102 = arith.cmpi ne, %convert_element_type3A_100, %cond3A_101 : i32
      scf.if %cond3A_102 {
        %mul3A_108 = arith.constant 624 : i32
        %mul3A_109 = arith.muli %arg1, %mul3A_108 : i32
        %multiple_of3A = tpu.assume_multiple %mul3A_109, 8 : i32
        "tpu.region"() ({
          %run_scoped3A = tpu.sem_alloc : memref<!tpu.dma_semaphore, #tpu.memory_space<semaphore_mem>>
          %dma_start3A_110 = arith.constant 0 : i32
          %dma_start3A_111 = tpu.memref_slice %arg7[%multiple_of3A, %dma_start3A_110] : memref<10000x128xf32, #tpu.memory_space<hbm>> -> memref<624x128xf32, #tpu.memory_space<hbm>>
          %dma_start3A_112 = arith.constant 0 : i32
          %dma_start3A_113 = tpu.memref_slice %arg11[%multiple_of3A, %dma_start3A_112] : memref<10000x128xf32, #tpu.memory_space<vmem_shared>> -> memref<624x128xf32, #tpu.memory_space<vmem_shared>>
          tpu.enqueue_dma source(%dma_start3A_113 : memref<624x128xf32, #tpu.memory_space<vmem_shared>>) target(%dma_start3A_111 : memref<624x128xf32, #tpu.memory_space<hbm>>) target_semaphore(%run_scoped3A : memref<!tpu.dma_semaphore, #tpu.memory_space<semaphore_mem>>)
          %dma_wait3A_114 = arith.constant 0 : i32
          %dma_wait3A_115 = tpu.memref_slice %arg7[%multiple_of3A, %dma_wait3A_114] : memref<10000x128xf32, #tpu.memory_space<hbm>> -> memref<624x128xf32, #tpu.memory_space<hbm>>
          %dma_wait3A_116 = arith.constant 0 : i32
          %dma_wait3A_117 = tpu.memref_slice %arg11[%multiple_of3A, %dma_wait3A_116] : memref<10000x128xf32, #tpu.memory_space<vmem_shared>> -> memref<624x128xf32, #tpu.memory_space<vmem_shared>>
          tpu.wait_dma2 semaphore(%run_scoped3A : memref<!tpu.dma_semaphore, #tpu.memory_space<semaphore_mem>>) src(%dma_wait3A_117 : memref<624x128xf32, #tpu.memory_space<vmem_shared>>) dst(%dma_wait3A_115 : memref<624x128xf32, #tpu.memory_space<hbm>>)
          tpu.yield
        }) : () -> ()
        "tpu.region"() ({
          %run_scoped3A = tpu.sem_alloc : memref<!tpu.dma_semaphore, #tpu.memory_space<semaphore_mem>>
          %dma_start3A_110 = arith.constant 0 : i32
          %dma_start3A_111 = tpu.memref_slice %arg20[%dma_start3A_110] : memref<640xf32, #tpu.memory_space<vmem>> -> memref<624xf32, #tpu.memory_space<vmem>>
          %dma_start3A_112 = tpu.memref_slice %arg12[%multiple_of3A] : memref<10000xf32, #tpu.memory_space<vmem_shared>> -> memref<624xf32, #tpu.memory_space<vmem_shared>>
          %dma_start3A_113 = arith.constant 0 : i32
          %dma_start3A_114 = tpu.memref_slice %arg20[%dma_start3A_113] : memref<640xf32, #tpu.memory_space<vmem>> -> memref<624xf32, #tpu.memory_space<vmem>>
          %dma_start3A_115 = tpu.memref_slice %arg12[%multiple_of3A] : memref<10000xf32, #tpu.memory_space<vmem_shared>> -> memref<624xf32, #tpu.memory_space<vmem_shared>>
          tpu.enqueue_dma source(%dma_start3A_115 : memref<624xf32, #tpu.memory_space<vmem_shared>>) target(%dma_start3A_114 : memref<624xf32, #tpu.memory_space<vmem>>) target_semaphore(%run_scoped3A : memref<!tpu.dma_semaphore, #tpu.memory_space<semaphore_mem>>)
          %dma_wait3A_116 = arith.constant 0 : i32
          %dma_wait3A_117 = tpu.memref_slice %arg20[%dma_wait3A_116] : memref<640xf32, #tpu.memory_space<vmem>> -> memref<624xf32, #tpu.memory_space<vmem>>
          %dma_wait3A_118 = tpu.memref_slice %arg12[%multiple_of3A] : memref<10000xf32, #tpu.memory_space<vmem_shared>> -> memref<624xf32, #tpu.memory_space<vmem_shared>>
          %dma_wait3A_119 = arith.constant 0 : i32
          %dma_wait3A_120 = tpu.memref_slice %arg20[%dma_wait3A_119] : memref<640xf32, #tpu.memory_space<vmem>> -> memref<624xf32, #tpu.memory_space<vmem>>
          %dma_wait3A_121 = tpu.memref_slice %arg12[%multiple_of3A] : memref<10000xf32, #tpu.memory_space<vmem_shared>> -> memref<624xf32, #tpu.memory_space<vmem_shared>>
          tpu.wait_dma2 semaphore(%run_scoped3A : memref<!tpu.dma_semaphore, #tpu.memory_space<semaphore_mem>>) src(%dma_wait3A_121 : memref<624xf32, #tpu.memory_space<vmem_shared>>) dst(%dma_wait3A_120 : memref<624xf32, #tpu.memory_space<vmem>>)
          tpu.yield
        }) : () -> ()
        "tpu.region"() ({
          %run_scoped3A = tpu.sem_alloc : memref<!tpu.dma_semaphore, #tpu.memory_space<semaphore_mem>>
          %dma_start3A_110 = arith.constant 0 : i32
          %dma_start3A_111 = tpu.memref_slice %arg20[%dma_start3A_110] : memref<640xf32, #tpu.memory_space<vmem>> -> memref<624xf32, #tpu.memory_space<vmem>>
          %dma_start3A_112 = tpu.memref_slice %arg9[%multiple_of3A] : memref<10000xf32, #tpu.memory_space<hbm>> -> memref<624xf32, #tpu.memory_space<hbm>>
          %dma_start3A_113 = tpu.memref_slice %arg9[%multiple_of3A] : memref<10000xf32, #tpu.memory_space<hbm>> -> memref<624xf32, #tpu.memory_space<hbm>>
          %dma_start3A_114 = arith.constant 0 : i32
          %dma_start3A_115 = tpu.memref_slice %arg20[%dma_start3A_114] : memref<640xf32, #tpu.memory_space<vmem>> -> memref<624xf32, #tpu.memory_space<vmem>>
          tpu.enqueue_dma source(%dma_start3A_115 : memref<624xf32, #tpu.memory_space<vmem>>) target(%dma_start3A_113 : memref<624xf32, #tpu.memory_space<hbm>>) target_semaphore(%run_scoped3A : memref<!tpu.dma_semaphore, #tpu.memory_space<semaphore_mem>>)
          %dma_wait3A_116 = arith.constant 0 : i32
          %dma_wait3A_117 = tpu.memref_slice %arg20[%dma_wait3A_116] : memref<640xf32, #tpu.memory_space<vmem>> -> memref<624xf32, #tpu.memory_space<vmem>>
          %dma_wait3A_118 = tpu.memref_slice %arg9[%multiple_of3A] : memref<10000xf32, #tpu.memory_space<hbm>> -> memref<624xf32, #tpu.memory_space<hbm>>
          %dma_wait3A_119 = tpu.memref_slice %arg9[%multiple_of3A] : memref<10000xf32, #tpu.memory_space<hbm>> -> memref<624xf32, #tpu.memory_space<hbm>>
          %dma_wait3A_120 = arith.constant 0 : i32
          %dma_wait3A_121 = tpu.memref_slice %arg20[%dma_wait3A_120] : memref<640xf32, #tpu.memory_space<vmem>> -> memref<624xf32, #tpu.memory_space<vmem>>
          tpu.wait_dma2 semaphore(%run_scoped3A : memref<!tpu.dma_semaphore, #tpu.memory_space<semaphore_mem>>) src(%dma_wait3A_121 : memref<624xf32, #tpu.memory_space<vmem>>) dst(%dma_wait3A_119 : memref<624xf32, #tpu.memory_space<hbm>>)
          tpu.yield
        }) : () -> ()
      } else {
      }
      %eq3A_103 = arith.constant 15 : i32
      %eq3A_104 = arith.cmpi eq, %arg1, %eq3A_103 : i32
      %convert_element_type3A_105 = arith.extui %eq3A_104 : i1 to i32
      %cond3A_106 = arith.constant 0 : i32
      %cond3A_107 = arith.cmpi ne, %convert_element_type3A_105, %cond3A_106 : i32
      scf.if %cond3A_107 {
        "tpu.region"() ({
          %run_scoped3A = tpu.sem_alloc : memref<!tpu.dma_semaphore, #tpu.memory_space<semaphore_mem>>
          %dma_start3A_108 = arith.constant 9360 : i32
          %dma_start3A_109 = arith.constant 0 : i32
          %dma_start3A_110 = tpu.memref_slice %arg7[%dma_start3A_108, %dma_start3A_109] : memref<10000x128xf32, #tpu.memory_space<hbm>> -> memref<640x128xf32, #tpu.memory_space<hbm>>
          %dma_start3A_111 = arith.constant 9360 : i32
          %dma_start3A_112 = arith.constant 0 : i32
          %dma_start3A_113 = tpu.memref_slice %arg11[%dma_start3A_111, %dma_start3A_112] : memref<10000x128xf32, #tpu.memory_space<vmem_shared>> -> memref<640x128xf32, #tpu.memory_space<vmem_shared>>
          tpu.enqueue_dma source(%dma_start3A_113 : memref<640x128xf32, #tpu.memory_space<vmem_shared>>) target(%dma_start3A_110 : memref<640x128xf32, #tpu.memory_space<hbm>>) target_semaphore(%run_scoped3A : memref<!tpu.dma_semaphore, #tpu.memory_space<semaphore_mem>>)
          %dma_wait3A_114 = arith.constant 9360 : i32
          %dma_wait3A_115 = arith.constant 0 : i32
          %dma_wait3A_116 = tpu.memref_slice %arg7[%dma_wait3A_114, %dma_wait3A_115] : memref<10000x128xf32, #tpu.memory_space<hbm>> -> memref<640x128xf32, #tpu.memory_space<hbm>>
          %dma_wait3A_117 = arith.constant 9360 : i32
          %dma_wait3A_118 = arith.constant 0 : i32
          %dma_wait3A_119 = tpu.memref_slice %arg11[%dma_wait3A_117, %dma_wait3A_118] : memref<10000x128xf32, #tpu.memory_space<vmem_shared>> -> memref<640x128xf32, #tpu.memory_space<vmem_shared>>
          tpu.wait_dma2 semaphore(%run_scoped3A : memref<!tpu.dma_semaphore, #tpu.memory_space<semaphore_mem>>) src(%dma_wait3A_119 : memref<640x128xf32, #tpu.memory_space<vmem_shared>>) dst(%dma_wait3A_116 : memref<640x128xf32, #tpu.memory_space<hbm>>)
          tpu.yield
        }) : () -> ()
        "tpu.region"() ({
          %run_scoped3A = tpu.sem_alloc : memref<!tpu.dma_semaphore, #tpu.memory_space<semaphore_mem>>
          %dma_start3A_108 = arith.constant 9360 : i32
          %dma_start3A_109 = tpu.memref_slice %arg12[%dma_start3A_108] : memref<10000xf32, #tpu.memory_space<vmem_shared>> -> memref<640xf32, #tpu.memory_space<vmem_shared>>
          %dma_start3A_110 = arith.constant 9360 : i32
          %dma_start3A_111 = tpu.memref_slice %arg12[%dma_start3A_110] : memref<10000xf32, #tpu.memory_space<vmem_shared>> -> memref<640xf32, #tpu.memory_space<vmem_shared>>
          tpu.enqueue_dma source(%dma_start3A_111 : memref<640xf32, #tpu.memory_space<vmem_shared>>) target(%arg20 : memref<640xf32, #tpu.memory_space<vmem>>) target_semaphore(%run_scoped3A : memref<!tpu.dma_semaphore, #tpu.memory_space<semaphore_mem>>)
          %dma_wait3A_112 = arith.constant 9360 : i32
          %dma_wait3A_113 = tpu.memref_slice %arg12[%dma_wait3A_112] : memref<10000xf32, #tpu.memory_space<vmem_shared>> -> memref<640xf32, #tpu.memory_space<vmem_shared>>
          %dma_wait3A_114 = arith.constant 9360 : i32
          %dma_wait3A_115 = tpu.memref_slice %arg12[%dma_wait3A_114] : memref<10000xf32, #tpu.memory_space<vmem_shared>> -> memref<640xf32, #tpu.memory_space<vmem_shared>>
          tpu.wait_dma2 semaphore(%run_scoped3A : memref<!tpu.dma_semaphore, #tpu.memory_space<semaphore_mem>>) src(%dma_wait3A_115 : memref<640xf32, #tpu.memory_space<vmem_shared>>) dst(%arg20 : memref<640xf32, #tpu.memory_space<vmem>>)
          tpu.yield
        }) : () -> ()
        "tpu.region"() ({
          %run_scoped3A = tpu.sem_alloc : memref<!tpu.dma_semaphore, #tpu.memory_space<semaphore_mem>>
          %dma_start3A_108 = arith.constant 9360 : i32
          %dma_start3A_109 = tpu.memref_slice %arg9[%dma_start3A_108] : memref<10000xf32, #tpu.memory_space<hbm>> -> memref<640xf32, #tpu.memory_space<hbm>>
          %dma_start3A_110 = arith.constant 9360 : i32
          %dma_start3A_111 = tpu.memref_slice %arg9[%dma_start3A_110] : memref<10000xf32, #tpu.memory_space<hbm>> -> memref<640xf32, #tpu.memory_space<hbm>>
          tpu.enqueue_dma source(%arg20 : memref<640xf32, #tpu.memory_space<vmem>>) target(%dma_start3A_111 : memref<640xf32, #tpu.memory_space<hbm>>) target_semaphore(%run_scoped3A : memref<!tpu.dma_semaphore, #tpu.memory_space<semaphore_mem>>)
          %dma_wait3A_112 = arith.constant 9360 : i32
          %dma_wait3A_113 = tpu.memref_slice %arg9[%dma_wait3A_112] : memref<10000xf32, #tpu.memory_space<hbm>> -> memref<640xf32, #tpu.memory_space<hbm>>
          %dma_wait3A_114 = arith.constant 9360 : i32
          %dma_wait3A_115 = tpu.memref_slice %arg9[%dma_wait3A_114] : memref<10000xf32, #tpu.memory_space<hbm>> -> memref<640xf32, #tpu.memory_space<hbm>>
          tpu.wait_dma2 semaphore(%run_scoped3A : memref<!tpu.dma_semaphore, #tpu.memory_space<semaphore_mem>>) src(%arg20 : memref<640xf32, #tpu.memory_space<vmem>>) dst(%dma_wait3A_115 : memref<640xf32, #tpu.memory_space<hbm>>)
          tpu.yield
        }) : () -> ()
      } else {
      }
    } else {
    }
    %eq3A_93 = arith.constant 1 : i32
    %eq3A_94 = arith.cmpi eq, %arg0, %eq3A_93 : i32
    %convert_element_type3A_95 = arith.extui %eq3A_94 : i1 to i32
    %cond3A_96 = arith.constant 0 : i32
    %cond3A_97 = arith.cmpi ne, %convert_element_type3A_95, %cond3A_96 : i32
    scf.if %cond3A_97 {
      %lt3A_98 = arith.constant 15 : i32
      %lt3A_99 = arith.cmpi slt, %arg1, %lt3A_98 : i32
      %convert_element_type3A_100 = arith.extui %lt3A_99 : i1 to i32
      %cond3A_101 = arith.constant 0 : i32
      %cond3A_102 = arith.cmpi ne, %convert_element_type3A_100, %cond3A_101 : i32
      scf.if %cond3A_102 {
        %mul3A_108 = arith.constant 624 : i32
        %mul3A_109 = arith.muli %arg1, %mul3A_108 : i32
        %multiple_of3A = tpu.assume_multiple %mul3A_109, 8 : i32
        "tpu.region"() ({
          %run_scoped3A = tpu.sem_alloc : memref<!tpu.dma_semaphore, #tpu.memory_space<semaphore_mem>>
          %dma_start3A_110 = arith.constant 0 : i32
          %dma_start3A_111 = tpu.memref_slice %arg8[%multiple_of3A, %dma_start3A_110] : memref<10000x128xf32, #tpu.memory_space<hbm>> -> memref<624x128xf32, #tpu.memory_space<hbm>>
          %dma_start3A_112 = arith.constant 0 : i32
          %dma_start3A_113 = tpu.memref_slice %arg11[%multiple_of3A, %dma_start3A_112] : memref<10000x128xf32, #tpu.memory_space<vmem_shared>> -> memref<624x128xf32, #tpu.memory_space<vmem_shared>>
          tpu.enqueue_dma source(%dma_start3A_113 : memref<624x128xf32, #tpu.memory_space<vmem_shared>>) target(%dma_start3A_111 : memref<624x128xf32, #tpu.memory_space<hbm>>) target_semaphore(%run_scoped3A : memref<!tpu.dma_semaphore, #tpu.memory_space<semaphore_mem>>)
          %dma_wait3A_114 = arith.constant 0 : i32
          %dma_wait3A_115 = tpu.memref_slice %arg8[%multiple_of3A, %dma_wait3A_114] : memref<10000x128xf32, #tpu.memory_space<hbm>> -> memref<624x128xf32, #tpu.memory_space<hbm>>
          %dma_wait3A_116 = arith.constant 0 : i32
          %dma_wait3A_117 = tpu.memref_slice %arg11[%multiple_of3A, %dma_wait3A_116] : memref<10000x128xf32, #tpu.memory_space<vmem_shared>> -> memref<624x128xf32, #tpu.memory_space<vmem_shared>>
          tpu.wait_dma2 semaphore(%run_scoped3A : memref<!tpu.dma_semaphore, #tpu.memory_space<semaphore_mem>>) src(%dma_wait3A_117 : memref<624x128xf32, #tpu.memory_space<vmem_shared>>) dst(%dma_wait3A_115 : memref<624x128xf32, #tpu.memory_space<hbm>>)
          tpu.yield
        }) : () -> ()
        "tpu.region"() ({
          %run_scoped3A = tpu.sem_alloc : memref<!tpu.dma_semaphore, #tpu.memory_space<semaphore_mem>>
          %dma_start3A_110 = arith.constant 0 : i32
          %dma_start3A_111 = tpu.memref_slice %arg20[%dma_start3A_110] : memref<640xf32, #tpu.memory_space<vmem>> -> memref<624xf32, #tpu.memory_space<vmem>>
          %dma_start3A_112 = tpu.memref_slice %arg12[%multiple_of3A] : memref<10000xf32, #tpu.memory_space<vmem_shared>> -> memref<624xf32, #tpu.memory_space<vmem_shared>>
          %dma_start3A_113 = arith.constant 0 : i32
          %dma_start3A_114 = tpu.memref_slice %arg20[%dma_start3A_113] : memref<640xf32, #tpu.memory_space<vmem>> -> memref<624xf32, #tpu.memory_space<vmem>>
          %dma_start3A_115 = tpu.memref_slice %arg12[%multiple_of3A] : memref<10000xf32, #tpu.memory_space<vmem_shared>> -> memref<624xf32, #tpu.memory_space<vmem_shared>>
          tpu.enqueue_dma source(%dma_start3A_115 : memref<624xf32, #tpu.memory_space<vmem_shared>>) target(%dma_start3A_114 : memref<624xf32, #tpu.memory_space<vmem>>) target_semaphore(%run_scoped3A : memref<!tpu.dma_semaphore, #tpu.memory_space<semaphore_mem>>)
          %dma_wait3A_116 = arith.constant 0 : i32
          %dma_wait3A_117 = tpu.memref_slice %arg20[%dma_wait3A_116] : memref<640xf32, #tpu.memory_space<vmem>> -> memref<624xf32, #tpu.memory_space<vmem>>
          %dma_wait3A_118 = tpu.memref_slice %arg12[%multiple_of3A] : memref<10000xf32, #tpu.memory_space<vmem_shared>> -> memref<624xf32, #tpu.memory_space<vmem_shared>>
          %dma_wait3A_119 = arith.constant 0 : i32
          %dma_wait3A_120 = tpu.memref_slice %arg20[%dma_wait3A_119] : memref<640xf32, #tpu.memory_space<vmem>> -> memref<624xf32, #tpu.memory_space<vmem>>
          %dma_wait3A_121 = tpu.memref_slice %arg12[%multiple_of3A] : memref<10000xf32, #tpu.memory_space<vmem_shared>> -> memref<624xf32, #tpu.memory_space<vmem_shared>>
          tpu.wait_dma2 semaphore(%run_scoped3A : memref<!tpu.dma_semaphore, #tpu.memory_space<semaphore_mem>>) src(%dma_wait3A_121 : memref<624xf32, #tpu.memory_space<vmem_shared>>) dst(%dma_wait3A_120 : memref<624xf32, #tpu.memory_space<vmem>>)
          tpu.yield
        }) : () -> ()
        "tpu.region"() ({
          %run_scoped3A = tpu.sem_alloc : memref<!tpu.dma_semaphore, #tpu.memory_space<semaphore_mem>>
          %dma_start3A_110 = arith.constant 0 : i32
          %dma_start3A_111 = tpu.memref_slice %arg20[%dma_start3A_110] : memref<640xf32, #tpu.memory_space<vmem>> -> memref<624xf32, #tpu.memory_space<vmem>>
          %dma_start3A_112 = tpu.memref_slice %arg10[%multiple_of3A] : memref<10000xf32, #tpu.memory_space<hbm>> -> memref<624xf32, #tpu.memory_space<hbm>>
          %dma_start3A_113 = tpu.memref_slice %arg10[%multiple_of3A] : memref<10000xf32, #tpu.memory_space<hbm>> -> memref<624xf32, #tpu.memory_space<hbm>>
          %dma_start3A_114 = arith.constant 0 : i32
          %dma_start3A_115 = tpu.memref_slice %arg20[%dma_start3A_114] : memref<640xf32, #tpu.memory_space<vmem>> -> memref<624xf32, #tpu.memory_space<vmem>>
          tpu.enqueue_dma source(%dma_start3A_115 : memref<624xf32, #tpu.memory_space<vmem>>) target(%dma_start3A_113 : memref<624xf32, #tpu.memory_space<hbm>>) target_semaphore(%run_scoped3A : memref<!tpu.dma_semaphore, #tpu.memory_space<semaphore_mem>>)
          %dma_wait3A_116 = arith.constant 0 : i32
          %dma_wait3A_117 = tpu.memref_slice %arg20[%dma_wait3A_116] : memref<640xf32, #tpu.memory_space<vmem>> -> memref<624xf32, #tpu.memory_space<vmem>>
          %dma_wait3A_118 = tpu.memref_slice %arg10[%multiple_of3A] : memref<10000xf32, #tpu.memory_space<hbm>> -> memref<624xf32, #tpu.memory_space<hbm>>
          %dma_wait3A_119 = tpu.memref_slice %arg10[%multiple_of3A] : memref<10000xf32, #tpu.memory_space<hbm>> -> memref<624xf32, #tpu.memory_space<hbm>>
          %dma_wait3A_120 = arith.constant 0 : i32
          %dma_wait3A_121 = tpu.memref_slice %arg20[%dma_wait3A_120] : memref<640xf32, #tpu.memory_space<vmem>> -> memref<624xf32, #tpu.memory_space<vmem>>
          tpu.wait_dma2 semaphore(%run_scoped3A : memref<!tpu.dma_semaphore, #tpu.memory_space<semaphore_mem>>) src(%dma_wait3A_121 : memref<624xf32, #tpu.memory_space<vmem>>) dst(%dma_wait3A_119 : memref<624xf32, #tpu.memory_space<hbm>>)
          tpu.yield
        }) : () -> ()
      } else {
      }
      %eq3A_103 = arith.constant 15 : i32
      %eq3A_104 = arith.cmpi eq, %arg1, %eq3A_103 : i32
      %convert_element_type3A_105 = arith.extui %eq3A_104 : i1 to i32
      %cond3A_106 = arith.constant 0 : i32
      %cond3A_107 = arith.cmpi ne, %convert_element_type3A_105, %cond3A_106 : i32
      scf.if %cond3A_107 {
        "tpu.region"() ({
          %run_scoped3A = tpu.sem_alloc : memref<!tpu.dma_semaphore, #tpu.memory_space<semaphore_mem>>
          %dma_start3A_108 = arith.constant 9360 : i32
          %dma_start3A_109 = arith.constant 0 : i32
          %dma_start3A_110 = tpu.memref_slice %arg8[%dma_start3A_108, %dma_start3A_109] : memref<10000x128xf32, #tpu.memory_space<hbm>> -> memref<640x128xf32, #tpu.memory_space<hbm>>
          %dma_start3A_111 = arith.constant 9360 : i32
          %dma_start3A_112 = arith.constant 0 : i32
          %dma_start3A_113 = tpu.memref_slice %arg11[%dma_start3A_111, %dma_start3A_112] : memref<10000x128xf32, #tpu.memory_space<vmem_shared>> -> memref<640x128xf32, #tpu.memory_space<vmem_shared>>
          tpu.enqueue_dma source(%dma_start3A_113 : memref<640x128xf32, #tpu.memory_space<vmem_shared>>) target(%dma_start3A_110 : memref<640x128xf32, #tpu.memory_space<hbm>>) target_semaphore(%run_scoped3A : memref<!tpu.dma_semaphore, #tpu.memory_space<semaphore_mem>>)
          %dma_wait3A_114 = arith.constant 9360 : i32
          %dma_wait3A_115 = arith.constant 0 : i32
          %dma_wait3A_116 = tpu.memref_slice %arg8[%dma_wait3A_114, %dma_wait3A_115] : memref<10000x128xf32, #tpu.memory_space<hbm>> -> memref<640x128xf32, #tpu.memory_space<hbm>>
          %dma_wait3A_117 = arith.constant 9360 : i32
          %dma_wait3A_118 = arith.constant 0 : i32
          %dma_wait3A_119 = tpu.memref_slice %arg11[%dma_wait3A_117, %dma_wait3A_118] : memref<10000x128xf32, #tpu.memory_space<vmem_shared>> -> memref<640x128xf32, #tpu.memory_space<vmem_shared>>
          tpu.wait_dma2 semaphore(%run_scoped3A : memref<!tpu.dma_semaphore, #tpu.memory_space<semaphore_mem>>) src(%dma_wait3A_119 : memref<640x128xf32, #tpu.memory_space<vmem_shared>>) dst(%dma_wait3A_116 : memref<640x128xf32, #tpu.memory_space<hbm>>)
          tpu.yield
        }) : () -> ()
        "tpu.region"() ({
          %run_scoped3A = tpu.sem_alloc : memref<!tpu.dma_semaphore, #tpu.memory_space<semaphore_mem>>
          %dma_start3A_108 = arith.constant 9360 : i32
          %dma_start3A_109 = tpu.memref_slice %arg12[%dma_start3A_108] : memref<10000xf32, #tpu.memory_space<vmem_shared>> -> memref<640xf32, #tpu.memory_space<vmem_shared>>
          %dma_start3A_110 = arith.constant 9360 : i32
          %dma_start3A_111 = tpu.memref_slice %arg12[%dma_start3A_110] : memref<10000xf32, #tpu.memory_space<vmem_shared>> -> memref<640xf32, #tpu.memory_space<vmem_shared>>
          tpu.enqueue_dma source(%dma_start3A_111 : memref<640xf32, #tpu.memory_space<vmem_shared>>) target(%arg20 : memref<640xf32, #tpu.memory_space<vmem>>) target_semaphore(%run_scoped3A : memref<!tpu.dma_semaphore, #tpu.memory_space<semaphore_mem>>)
          %dma_wait3A_112 = arith.constant 9360 : i32
          %dma_wait3A_113 = tpu.memref_slice %arg12[%dma_wait3A_112] : memref<10000xf32, #tpu.memory_space<vmem_shared>> -> memref<640xf32, #tpu.memory_space<vmem_shared>>
          %dma_wait3A_114 = arith.constant 9360 : i32
          %dma_wait3A_115 = tpu.memref_slice %arg12[%dma_wait3A_114] : memref<10000xf32, #tpu.memory_space<vmem_shared>> -> memref<640xf32, #tpu.memory_space<vmem_shared>>
          tpu.wait_dma2 semaphore(%run_scoped3A : memref<!tpu.dma_semaphore, #tpu.memory_space<semaphore_mem>>) src(%dma_wait3A_115 : memref<640xf32, #tpu.memory_space<vmem_shared>>) dst(%arg20 : memref<640xf32, #tpu.memory_space<vmem>>)
          tpu.yield
        }) : () -> ()
        "tpu.region"() ({
          %run_scoped3A = tpu.sem_alloc : memref<!tpu.dma_semaphore, #tpu.memory_space<semaphore_mem>>
          %dma_start3A_108 = arith.constant 9360 : i32
          %dma_start3A_109 = tpu.memref_slice %arg10[%dma_start3A_108] : memref<10000xf32, #tpu.memory_space<hbm>> -> memref<640xf32, #tpu.memory_space<hbm>>
          %dma_start3A_110 = arith.constant 9360 : i32
          %dma_start3A_111 = tpu.memref_slice %arg10[%dma_start3A_110] : memref<10000xf32, #tpu.memory_space<hbm>> -> memref<640xf32, #tpu.memory_space<hbm>>
          tpu.enqueue_dma source(%arg20 : memref<640xf32, #tpu.memory_space<vmem>>) target(%dma_start3A_111 : memref<640xf32, #tpu.memory_space<hbm>>) target_semaphore(%run_scoped3A : memref<!tpu.dma_semaphore, #tpu.memory_space<semaphore_mem>>)
          %dma_wait3A_112 = arith.constant 9360 : i32
          %dma_wait3A_113 = tpu.memref_slice %arg10[%dma_wait3A_112] : memref<10000xf32, #tpu.memory_space<hbm>> -> memref<640xf32, #tpu.memory_space<hbm>>
          %dma_wait3A_114 = arith.constant 9360 : i32
          %dma_wait3A_115 = tpu.memref_slice %arg10[%dma_wait3A_114] : memref<10000xf32, #tpu.memory_space<hbm>> -> memref<640xf32, #tpu.memory_space<hbm>>
          tpu.wait_dma2 semaphore(%run_scoped3A : memref<!tpu.dma_semaphore, #tpu.memory_space<semaphore_mem>>) src(%arg20 : memref<640xf32, #tpu.memory_space<vmem>>) dst(%dma_wait3A_115 : memref<640xf32, #tpu.memory_space<hbm>>)
          tpu.yield
        }) : () -> ()
      } else {
      }
    } else {
    }
    return
  }
}

module attributes {stable_mosaic.version = 14 : i64} {
  func.func @_tc_body(%arg0: i32, %arg1: memref<2000x128xf32, #tpu.memory_space<vmem>>, %arg2: memref<2000x128xf32, #tpu.memory_space<vmem>>, %arg3: memref<2000x256xf32, #tpu.memory_space<vmem>>, %arg4: memref<2000x1xf32, #tpu.memory_space<vmem>>, %arg5: memref<2000x1xf32, #tpu.memory_space<vmem>>, %arg6: memref<256x256xf32, #tpu.memory_space<vmem>>, %arg7: memref<1x256xf32, #tpu.memory_space<vmem>>, %arg8: memref<2000x256xf32, #tpu.memory_space<vmem>>) attributes {dimension_semantics = [#tpu.dimension_semantics<arbitrary>], iteration_bounds = array<i64: 5>, scalar_prefetch = 0 : i64, scratch_operands = 0 : i64, tpu.core_type = #tpu.core_type<tc>, window_params = [{transform_indices = @transform_0, window_bounds = array<i64: 2000, 128>}, {transform_indices = @transform_1, window_bounds = array<i64: 2000, 128>}, {transform_indices = @transform_2, window_bounds = array<i64: 2000, 256>}, {transform_indices = @transform_3, window_bounds = array<i64: 2000, 1>}, {transform_indices = @transform_4, window_bounds = array<i64: 2000, 1>}, {pipeline_mode = #tpu.pipeline_mode<synchronous>, transform_indices = @transform_5, window_bounds = array<i64: 256, 256>}, {pipeline_mode = #tpu.pipeline_mode<synchronous>, transform_indices = @transform_6, window_bounds = array<i64: 1, 256>}, {transform_indices = @transform_7, window_bounds = array<i64: 2000, 256>}]} {
    %get3A = arith.constant 0 : index
    %get3A_0 = arith.constant 0 : index
    %get3A_1 = vector.load %arg4[%get3A, %get3A_0] : memref<2000x1xf32, #tpu.memory_space<vmem>>, vector<2000x1xf32>
    %get3A_2 = arith.constant 0 : index
    %get3A_3 = arith.constant 0 : index
    %get3A_4 = vector.load %arg5[%get3A_2, %get3A_3] : memref<2000x1xf32, #tpu.memory_space<vmem>>, vector<2000x1xf32>
    %add3A = arith.addf %get3A_1, %get3A_4 : vector<2000x1xf32>
    %add3A_5 = arith.constant 1.000000e+00 : f32
    %add3A_6 = vector.broadcast %add3A_5 : f32 to vector<2000x1xf32>
    %add3A_7 = arith.addf %add3A, %add3A_6 : vector<2000x1xf32>
    %div3A = arith.constant 1.000000e+00 : f32
    %div3A_8 = vector.broadcast %div3A : f32 to vector<2000x1xf32>
    %div3A_9 = arith.divf %div3A_8, %add3A_7 : vector<2000x1xf32>
    %get3A_10 = arith.constant 0 : index
    %get3A_11 = arith.constant 0 : index
    %get3A_12 = vector.load %arg1[%get3A_10, %get3A_11] : memref<2000x128xf32, #tpu.memory_space<vmem>>, vector<2000x128xf32>
    %get3A_13 = arith.constant 0 : index
    %get3A_14 = arith.constant 0 : index
    %get3A_15 = vector.load %arg3[%get3A_13, %get3A_14] : memref<2000x256xf32, #tpu.memory_space<vmem>>, vector<2000x128xf32>
    %add3A_16 = arith.addf %get3A_12, %get3A_15 : vector<2000x128xf32>
    %mul3A = vector.broadcast %div3A_9 : vector<2000x1xf32> to vector<2000x128xf32>
    %mul3A_17 = arith.mulf %add3A_16, %mul3A : vector<2000x128xf32>
    %get3A_18 = arith.constant 0 : index
    %get3A_19 = arith.constant 0 : index
    %get3A_20 = vector.load %arg2[%get3A_18, %get3A_19] : memref<2000x128xf32, #tpu.memory_space<vmem>>, vector<2000x128xf32>
    %get3A_21 = arith.constant 0 : index
    %get3A_22 = arith.constant 128 : index
    %get3A_23 = vector.load %arg3[%get3A_21, %get3A_22] : memref<2000x256xf32, #tpu.memory_space<vmem>>, vector<2000x128xf32>
    %add3A_24 = arith.addf %get3A_20, %get3A_23 : vector<2000x128xf32>
    %mul3A_25 = vector.broadcast %div3A_9 : vector<2000x1xf32> to vector<2000x128xf32>
    %mul3A_26 = arith.mulf %add3A_24, %mul3A_25 : vector<2000x128xf32>
    %get3A_27 = arith.constant 0 : index
    %get3A_28 = arith.constant 0 : index
    %get3A_29 = vector.load %arg6[%get3A_27, %get3A_28] : memref<256x256xf32, #tpu.memory_space<vmem>>, vector<128x256xf32>
    %dot_general3A = arith.constant dense<0.000000e+00> : vector<2000x256xf32>
    %dot_general3A_30 = tpu.matmul %mul3A_17, %get3A_29, %dot_general3A {dimension_numbers = #tpu.dot_dimension_numbers<[1], [0], [0], [1], [0, 0, 1, 1], [], []>, transpose_lhs_hint = false} : vector<2000x128xf32>, vector<128x256xf32>, vector<2000x256xf32> -> vector<2000x256xf32>
    %get3A_31 = arith.constant 128 : index
    %get3A_32 = arith.constant 0 : index
    %get3A_33 = vector.load %arg6[%get3A_31, %get3A_32] : memref<256x256xf32, #tpu.memory_space<vmem>>, vector<128x256xf32>
    %dot_general3A_34 = arith.constant dense<0.000000e+00> : vector<2000x256xf32>
    %dot_general3A_35 = tpu.matmul %mul3A_26, %get3A_33, %dot_general3A_34 {dimension_numbers = #tpu.dot_dimension_numbers<[1], [0], [0], [1], [0, 0, 1, 1], [], []>, transpose_lhs_hint = false} : vector<2000x128xf32>, vector<128x256xf32>, vector<2000x256xf32> -> vector<2000x256xf32>
    %add3A_36 = arith.addf %dot_general3A_30, %dot_general3A_35 : vector<2000x256xf32>
    %get3A_37 = arith.constant 0 : index
    %get3A_38 = arith.constant 0 : index
    %get3A_39 = vector.load %arg7[%get3A_37, %get3A_38] : memref<1x256xf32, #tpu.memory_space<vmem>>, vector<1x256xf32>
    %add3A_40 = vector.broadcast %get3A_39 : vector<1x256xf32> to vector<2000x256xf32>
    %add3A_41 = arith.addf %add3A_36, %add3A_40 : vector<2000x256xf32>
    %swap3A = arith.constant 0 : index
    %swap3A_42 = arith.constant 0 : index
    %swap3A_43 = vector.load %arg8[%swap3A, %swap3A_42] : memref<2000x256xf32, #tpu.memory_space<vmem>>, vector<2000x256xf32>
    tpu.vector_store %arg8[%swap3A, %swap3A_42], %add3A_41 {strides = array<i32>} : memref<2000x256xf32, #tpu.memory_space<vmem>>, vector<2000x256xf32>,
    return
  }
  func.func @transform_0(%arg0: i32) -> (i32, i32) {
    %c0_i32 = arith.constant 0 : i32
    %c0_i32_0 = arith.constant 0 : i32
    return %arg0, %c0_i32 : i32, i32
  }
  func.func @transform_1(%arg0: i32) -> (i32, i32) {
    %c0_i32 = arith.constant 0 : i32
    %c0_i32_0 = arith.constant 0 : i32
    return %arg0, %c0_i32 : i32, i32
  }
  func.func @transform_2(%arg0: i32) -> (i32, i32) {
    %c0_i32 = arith.constant 0 : i32
    %c0_i32_0 = arith.constant 0 : i32
    return %arg0, %c0_i32 : i32, i32
  }
  func.func @transform_3(%arg0: i32) -> (i32, i32) {
    %c0_i32 = arith.constant 0 : i32
    %c0_i32_0 = arith.constant 0 : i32
    return %arg0, %c0_i32 : i32, i32
  }
  func.func @transform_4(%arg0: i32) -> (i32, i32) {
    %c0_i32 = arith.constant 0 : i32
    %c0_i32_0 = arith.constant 0 : i32
    return %arg0, %c0_i32 : i32, i32
  }
  func.func @transform_5(%arg0: i32) -> (i32, i32) {
    %c0_i32 = arith.constant 0 : i32
    %c0_i32_0 = arith.constant 0 : i32
    %c0_i32_1 = arith.constant 0 : i32
    return %c0_i32, %c0_i32_0 : i32, i32
  }
  func.func @transform_6(%arg0: i32) -> (i32, i32) {
    %c0_i32 = arith.constant 0 : i32
    %c0_i32_0 = arith.constant 0 : i32
    %c0_i32_1 = arith.constant 0 : i32
    return %c0_i32, %c0_i32_0 : i32, i32
  }
  func.func @transform_7(%arg0: i32) -> (i32, i32) {
    %c0_i32 = arith.constant 0 : i32
    %c0_i32_0 = arith.constant 0 : i32
    return %arg0, %c0_i32 : i32, i32
  }
}

</mosaic_0001>

<sc_bundles>
// kernel: kernel.4.cloned.1.call-start
scs
__scs_entry_jumppad:
0x0: {  	(pc) =	sbr.rel $0x88, $3  }
0x1: {  	(tag) =	ssettag $0x0;
	lr =	simm.s32 $0x1  }
0x2: {  	[smem:$0x3F9D] =	sst lr;
	_ =	strace $0xD0000000  }
0x3: {  	_ = 	snop  }
0x4: {  	_ = 	snop  }
0x5: {  	_ = 	snop  }
0x6: {  	_ = 	snop  }
0x7: {  	_ = 	snop  }
__scs_overlays_trampoline_lowered:
0x8: {  	[smem:$0x3FAC] =	sst s0  }
0x9: {  	[smem:$0x3FAD] =	sst s1  }
0xa: {  	[smem:$0x3FAE] =	sst s2  }
0xb: {  	[smem:$0x3FAF] =	sst s3  }
0xc: {  	[smem:$0x3FB0] =	sst s4  }
0xd: {  	[smem:$0x3FB1] =	sst s5  }
0xe: {  	[smem:$0x3FB2] =	sst s6  }
0xf: {  	[smem:$0x3FB3] =	sst s7  }
0x10: {  	[smem:$0x3FB4] =	sst s8  }
0x11: {  	[smem:$0x3FB5] =	sst s9;
	s0 =	simm.s32 @!p0 $0x0  }
0x12: {  	s1 =	sld [smem:$0x3F9B];
	s0 =	simm.s32 @p0 $0x1  }
0x13: {  	[smem:$0x3FB6] =	sst s0;
	s0 =	simm.s32 @!p1 $0x0  }
0x14: {  	s2 =	sld [smem:$0x3F9A];
	s0 =	simm.s32 @p1 $0x1  }
0x15: {  	[smem:$0x3FB7] =	sst s0;
	s0 =	simm.s32 @!p2 $0x0  }
0x16: {  	s3 =	sld [smem:$0x3FDB];
	s0 =	simm.s32 @p2 $0x1  }
0x17: {  	s4 =	simm.s32 $0x1BF5;
	[smem:$0x3FB9] =	sst s0  }
0x18: {  	s0 =	sld [smem:$0x3F9C];
	_ =	swait.ge [sflag:s4], $0x0  }
0x19: {  	s7 =	sld [smem:$0x3F9D]  }
0x1a: {  	s8 =	sadd.s32 $0xFFFFE003, lr  }
0x1b: {  	s9 =	sadd.s32 $0xFFFFFEF7, lr;
	s5 =	simm.s32 $0xFFFFFFFF;
	p2 =	slt.u32 s8, $0xFFFFF086  }
0x1c: {  	p1 =	slt.u32 s9, $0xF7A;
	s5 =	simm.s32 @!p2 $0x0  }
0x1d: {  	s5 =	simm.s32 @p1 $0x1;
	p0 =	seq.s32 s7, s2  }
0x1e: {  	s7 =	smul.u32 @!p0 $0xF7A, s2;
	p2 =	seq.s32 @!p0 s5, $0x0  }
0x1f: {  	s9 =	smul.u32 $0xF7A, s1;
	s8 =	simm.s32 @!p0 $0x1BF5;
	p2 =	por !p2, p0  }
0x20: {  	[sflag:s8] =	ssyncset.s32 @!p0 $0xFFFFF086;
	s6 =	sadd.s32 @!p0 s3, s7;
	s7 =	simm.s32 @!p0 $0x108  }
0x21: {  	s3 =	sadd.s32 s3, s9;
	s6 =	sadd.s32 @!p0 $0x88, s6;
	s7 =	simm.s32 @p2 $0x1082  }
0x22: {  	[simem:s7], [sflag:s8] =	dma.local @!p0 [hbm:s6], $0xF7A  }
0x23: {  	s9 =	sor.u32 $0xD0000000, s2;
	s6 =	simm.s32 $0x108;
	_ =	swait.ge @!p0 [sflag:s8], $0x0  }
0x24: {  	s3 =	sadd.s32 $0x88, s3;
	s6 =	simm.s32 @!p1 $0x1082;
	[sflag:s4] =	ssyncset.s32 $0xFFFFF086  }
0x25: {  	[simem:s6], [sflag:s4] =	dma.local [hbm:s3], $0xF7A  }
0x26: {  	[smem:$0x3F9D] =	sst s1;
	(tag) =	ssettag s2;
	_ =	strace s9  }
0x27: {  	s1 =	sld [smem:$0x3FAD]  }
0x28: {  	s2 =	sld [smem:$0x3FAE]  }
0x29: {  	s4 =	sld [smem:$0x3FB0]  }
0x2a: {  	p0 =	seq.s32 s5, $0x0;
	s5 =	sld [smem:$0x3FB1]  }
0x2b: {  	s6 =	sld [smem:$0x3FB2]  }
0x2c: {  	s7 =	sld [smem:$0x3FB3]  }
0x2d: {  	s3 =	simm.s32 $0x108;
	s8 =	sld [smem:$0x3FB4]  }
0x2e: {  	s3 =	simm.s32 @!p0 $0x1082;
	s9 =	sld [smem:$0x3FB5]  }
0x2f: {  	lr =	sadd.s32 s0, s3;
	s0 =	sld [smem:$0x3FAC]  }
0x30: {  	s3 =	sld [smem:$0x3FAF]  }
0x31: {  	[smem:$0x3FB8] =	sst s10  }
0x32: {  	s10 =	sld [smem:$0x3FB6];
	_ =	sdelay $0x3  }
0x33: {  	p0 =	seq.s32 s10, $0x1;
	s10 =	sld [smem:$0x3FB8];
	_ =	sdelay $0x3  }
0x34: {  	[smem:$0x3FB8] =	sst s10  }
0x35: {  	s10 =	sld [smem:$0x3FB7];
	_ =	sdelay $0x3  }
0x36: {  	p1 =	seq.s32 s10, $0x1;
	s10 =	sld [smem:$0x3FB8];
	_ =	sdelay $0x3  }
0x37: {  	[smem:$0x3FB8] =	sst s10  }
0x38: {  	s10 =	sld [smem:$0x3FB9]  }
0x39: {  	_ = 	snop;
	(pc) =	sbr.ind lr, $3  }
0x3a: {  	_ = 	snop  }
0x3b: {  	_ = 	snop  }
0x3c: {  	p2 =	seq.s32 s10, $0x1;
	s10 =	sld [smem:$0x3FB8]  }
0x3d: {  	_ =	shalt  }
0x3e: {  	_ =	shalt  }
0x3f: {  	_ =	shalt  }
0x40: {  	_ =	shalt  }
0x41: {  	_ =	shalt  }
0x42: {  	_ =	shalt  }
0x43: {  	_ =	shalt  }
0x44: {  	_ =	shalt  }
0x45: {  	_ =	shalt  }
0x46: {  	_ =	shalt  }
0x47: {  	_ =	shalt  }
0x48: {  	_ =	shalt  }
0x49: {  	_ =	shalt  }
0x4a: {  	_ =	shalt  }
0x4b: {  	_ =	shalt  }
0x4c: {  	_ =	shalt  }
0x4d: {  	_ =	shalt  }
0x4e: {  	_ =	shalt  }
0x4f: {  	_ =	shalt  }
0x50: {  	_ =	shalt  }
0x51: {  	_ =	shalt  }
0x52: {  	_ =	shalt  }
0x53: {  	_ =	shalt  }
0x54: {  	_ =	shalt  }
0x55: {  	_ =	shalt  }
0x56: {  	_ =	shalt  }
0x57: {  	_ =	shalt  }
0x58: {  	_ =	shalt  }
0x59: {  	_ =	shalt  }
0x5a: {  	_ =	shalt  }
0x5b: {  	_ =	shalt  }
0x5c: {  	_ =	shalt  }
0x5d: {  	_ =	shalt  }
0x5e: {  	_ =	shalt  }
0x5f: {  	_ =	shalt  }
0x60: {  	_ =	shalt  }
0x61: {  	_ =	shalt  }
0x62: {  	_ =	shalt  }
0x63: {  	_ =	shalt  }
0x64: {  	_ =	shalt  }
0x65: {  	_ =	shalt  }
0x66: {  	_ =	shalt  }
0x67: {  	_ =	shalt  }
0x68: {  	_ =	shalt  }
0x69: {  	_ =	shalt  }
0x6a: {  	_ =	shalt  }
0x6b: {  	_ =	shalt  }
0x6c: {  	_ =	shalt  }
0x6d: {  	_ =	shalt  }
0x6e: {  	_ =	shalt  }
0x6f: {  	_ =	shalt  }
0x70: {  	_ =	shalt  }
0x71: {  	_ =	shalt  }
0x72: {  	_ =	shalt  }
0x73: {  	_ =	shalt  }
0x74: {  	_ =	shalt  }
0x75: {  	_ =	shalt  }
0x76: {  	_ =	shalt  }
0x77: {  	_ =	shalt  }
0x78: {  	_ =	shalt  }
0x79: {  	_ =	shalt  }
0x7a: {  	_ =	shalt  }
0x7b: {  	_ =	shalt  }
0x7c: {  	_ =	shalt  }
0x7d: {  	_ =	shalt  }
0x7e: {  	_ =	shalt  }
0x7f: {  	_ =	shalt  }
0x80: {  	_ =	shalt  }
0x81: {  	_ =	shalt  }
0x82: {  	_ =	shalt  }
0x83: {  	_ =	shalt  }
0x84: {  	_ =	shalt  }
0x85: {  	_ =	shalt  }
0x86: {  	_ =	shalt  }
0x87: {  	_ =	shalt  }
.Lfunc_end0:
.L_simem_size_0:
called_computation_lowered:
.L_overlay_start_0:
0x88: {  	s2 =	sld [smem:$0x3FD9]  }
0x89: {  	s3 =	sld [smem:$0x3FFE];
	_ =	sdelay $0x1  }
0x8a: {  	s1 =	srdreg.scid  }
0x8b: {  	s0 =	sand.u32 $0x1, s1  }
0x8c: {  	s17 =	sshll.u32 s0, $0xA;
	s2 =	sadd.s32 s3, s2  }
0x8d: {  	s2 =	sadd.s32 s2, s17  }
0x8e: {  	[smem:$0x3FC4] =	sst s2  }
0x8f: {  	_ = 	snop  }
0x90: {  	s2 =	sld [smem:$0x3FD0];
	(tm) =	ssettm $0x1  }
0x91: {  	s18 =	sld [smem:$0x3FFB];
	_ =	sdelay $0x3  }
0x92: {  	_ =	strace s18  }
0x93: {  	s3 =	sld [smem:$0x3FFC];
	_ =	sdelay $0x3  }
0x94: {  	_ =	strace s3  }
0x95: {  	s3 =	sld [smem:$0x3FFD];
	_ =	sdelay $0x3  }
0x96: {  	_ =	strace s3  }
0x97: {  	_ =	strace $0x8FFFFFFF  }
0x98: {  	s19 =	sld [smem:$0x3FDB];
	_ =	sdelay $0x1  }
0x99: {  	s4 =	simm.s32 $_scs_section_size  }
0x9a: {  	s5 =	simm.s32 $_size__tile_overlayer_lowered;
	s6 =	simm.s32 $_tile_overlayer_lowered  }
0x9b: {  	s22 =	simm.s32 $0x1BFF;
	s21 =	sshll.u32 s6, $0x1;
	s3 =	sadd.s32 s4, s19  }
0x9c: {  	s7 =	simm.s32 $0x0;
	s20 =	sshll.u32 s5, $0x1;
	s5 =	sadd.s32 s21, s3  }
0x9d: {  	[timem:s7], [sflag:s22] =	dma.local [hbm:s5], s20  }
0x9e: {  	_ =	swait.ge [sflag:s22], s20  }
0x9f: {  	s4 =	ssub.s32 $0x0, s20;
	[sflag:s22] =	ssyncset.done $0x0  }
0xa0: {  	[sflag:s22] =	ssyncadd.s32 s4;
	_ =	sdelay $0x1  }
0xa1: {  	s23 =	simm.s32 $0x1B8B  }
0xa2: {  	_ =	swait.ge [sflag:s23], $0x1  }
0xa3: {  	[sflag:s23] =	ssyncset.done $0x0  }
0xa4: {  	s25 =	simm.s32 $0x1B8E;
	s24 =	sld [smem:$0x3FFE];
	[sflag:s23] =	ssyncadd.s32 $0xFFFFFFFF  }
0xa5: {  	s26 =	simm.s32 $execute0_lowered;
	[smem:$0x3FD2] =	sst s25  }
0xa6: {  	s5 =	sshll.u32 s26, $0x1;
	_ =	strace $0x80000046;
	[dreg:$0x1] =	wrdreg $0xFFFFFFFF  }
0xa7: {  	s28 =	simm.s32 $_size_execute0_lowered;
	s3 =	sadd.s32 s3, s5;
	[dreg:$0x0] =	wrdreg $0x0  }
0xa8: {  	s5 =	sshll.u32 s28, $0x1;
	[dreg:$0x2] =	wrdreg s3  }
0xa9: {  	[dreg:$0x3] =	wrdreg s5  }
0xaa: {  	[dreg:$0x4] =	wrdreg $0xC0  }
0xab: {  	_ =	task [dreg:s7], $0x5FFFF  }
0xac: {  	[dreg:$0x1] =	wrdreg $0xFFFFFFFF  }
0xad: {  	[dreg:$0x0] =	wrdreg $0x60  }
0xae: {  	[dreg:$0x2] =	wrdreg s2  }
0xaf: {  	[dreg:$0x3] =	wrdreg s24  }
0xb0: {  	[dreg:$0x4] =	wrdreg $0x0  }
0xb1: {  	[dreg:$0x5] =	wrdreg $0x138800  }
0xb2: {  	[dreg:$0x6] =	wrdreg $0x9  }
0xb3: {  	_ =	task.clear_ibuf [dreg:s7], $0x7FFFF;
	_ =	strace $0x90000046  }
0xb4: {  	s29 =	simm.s32 $0x9;
	_ =	strace $0x80000048  }
0xb5: {  	_ =	swait.ge [sflag:s29], $0x1  }
0xb6: {  	[sflag:s29] =	ssyncadd.s32 $0xFFFFFFFF  }
0xb7: {  	_ =	strace $0x90000048  }
0xb8: {  	_ =	sfence  }
0xb9: {  	s30 =	sld [smem:$0x0];
	_ =	sdelay $0x2  }
0xba: {  	s31 =	sshll.u32 s1, $0xD;
	s1 =	sshrl.u32 s1, $0x2  }
0xbb: {  	s3 =	sand.u32 $0x4000, s31;
	s1 =	sadd.s32 s1, s30  }
0xbc: {  	s0 =	sor.u32 s3, s0;
	s1 =	sshll.u32 s1, $0x11  }
0xbd: {  	s0 =	sor.u32 s1, s0  }
0xbe: {  	s0 =	sadd.s32 $0x8F2B, s0  }
0xbf: {  	[sflag:s0] =	ssyncadd.remote.s32 $0x1  }
0xc0: {  	_ =	sfence.sel $0xFFFF  }
0xc1: {  	[dreg:$0x0] =	wrdreg $0xFFFFFFFF;
	(pc) =	sbr.abs _section_cstart, $3  }
0xc2: {  	[dreg:$0x1] =	wrdreg $0xFFFFFFFF  }
0xc3: {  	_ =	task.clear_ibuf [dreg:s7], $0x2FFFF;
	_ =	strace $0x9FFFFFFF  }
0xc4: {  	(tm) =	ssettm $0x7FFFFFFF  }
0xc5: {  	_ =	shalt  }
tec
execute0_lowered:
.L_overlay_start_1:
0x0: {  	(tag) =	ssettag $0x1  }
0x1: {  	s1 =	rddreg [dreg:$0x0]  }
0x2: {  	s0 =	rddreg [dreg:$0x1]  }
0x3: {  	s2 =	rddreg [dreg:$0x2]  }
0x4: {  	s3 =	rddreg [dreg:$0x3];
	s5 =	simm.s32 $0x0  }
0x5: {  	s17 =	stileid.u32;
	s9 =	srdreg.scid;
	s31 =	simm.s32 $0x13AF8  }
0x6: {  	[smem:$0x7FF] =	sst s5;
	s6 =	sadd.s32 $0x5A00, s0;
	s7 =	smul.u32 $0x2700, s17  }
0x7: {  	s4 =	sadd.s32 $0xA00, s0;
	s8 =	sadd.s32 $0xFA00, s0;
	s24 =	smul.u32 $0x270, s17  }
0x8: {  	s10 =	sadd.s32 $0xF800, s0;
	s9 =	sand.u32 $0x1, s9;
	s25 =	smul.u32 $0x4E000, s17  }
0x9: {  	s14 =	smul.u32 $0x2710, s17;
	_ =	strace $0x80000047;
	[dreg:$0x5] =	wrdreg s8  }
0xa: {  	s16 =	smul.u32 $0x9C0, s17;
	s19 =	sadd.s32 $0x5E900, s0;
	[dreg:$0x6] =	wrdreg s10  }
0xb: {  	s20 =	sadd.s32 $0x12C92, s0;
	p2 =	seq.s32 s17, $0xF;
	[dreg:$0xe] =	wrdreg s19  }
0xc: {  	s12 =	smul.u32 $0x27100, s9;
	s13 =	ssub.s32 $0x2, s9;
	[dreg:$0xf] =	wrdreg s20  }
0xd: {  	p0 =	sne.s32 s9, $0x0;
	p1 =	seq.s32 s9, $0x0;
	s19 =	simm.s32 $0x1  }
0xe: {  	s7 =	sadd.s32 s7, s0;
	s11 =	sshrl.u32 s24, $0x3;
	s15 =	sshrl.u32 s13, $0x1  }
0xf: {  	s10 =	sshrl.u32 s25, $0x2;
	s26 =	sshrl.u32 s16, $0x2;
	s8 =	sadd.s32 s24, s3  }
0x10: {  	s16 =	smul.u32 $0x4E2, s17;
	s24 =	sadd.s32 $0x37700, s0;
	p3 =	seq.s32 @p0 s17, $0xF  }
0x11: {  	p6 =	seq.s32 @!p0 s17, $0xF;
	s11 =	sadd.s32 s11, s0;
	s13 =	ssub.s32 s13, s15  }
0x12: {  	s23 =	sadd.s32 s10, s2;
	s10 =	sadd.s32 s14, s12;
	[dreg:$0xc] =	wrdreg s8  }
0x13: {  	s14 =	sshrl.u32 s14, $0x3;
	s12 =	sadd.s32 s26, s3;
	[dreg:$0x12] =	wrdreg s24  }
0x14: {  	s30 =	sadd.s32 $0x3A000, s7;
	s7 =	sadd.s32 $0x12E00, s7;
	[dreg:$0x8] =	wrdreg s12  }
0x15: {  	s0 =	sadd.s32 $0x12692, s0;
	p4 =	por !p3, !p0;
	[dreg:$0xb] =	wrdreg s30  }
0x16: {  	p5 =	por !p6, p0;
	p6 =	por p6, p0;
	[dreg:$0x10] =	wrdreg s7  }
0x17: {  	s28 =	sshrl.u32 s10, $0x3;
	s14 =	sadd.s32 s4, s14;
	[dreg:$0x13] =	wrdreg s0  }
0x18: {  	s18 =	sadd.s32 $0x12800, s11;
	s21 =	sadd.s32 $0x12200, s11;
	[dreg:$0x7] =	wrdreg s23  }
0x19: {  	s20 =	sadd.s32 s16, s4;
	s22 =	sadd.s32 $0xF0, s10;
	[dreg:$0xd] =	wrdreg s18  }
0x1a: {  	s26 =	smax.u32 s13, $0x1;
	s0 =	simm.s32 @!p4 $0x0;
	[dreg:$0x11] =	wrdreg s21  }
0x1b: {  	s16 =	sadd.s32 $0x124800, s2;
	s13 =	simm.s32 $0x50;
	[dreg:$0x14] =	wrdreg s26  }
0x1c: {  	s12 =	simm.s32 $0x5;
	s7 =	simm.s32 $0x0;
	[dreg:$0xa] =	wrdreg s14  }
0x1d: {  	s29 =	sadd.s32 s6, s28;
	s28 =	sadd.s32 $0xA0, s10;
	[dreg:$0x16] =	wrdreg s16  }
0x1e: {  	s25 =	sshrl.u32 s22, $0x3;
	s0 =	simm.s32 @p4 $0x1;
	[dreg:$0x15] =	wrdreg s28  }
.Ltmp0:
0x1f: {  	p4 =	por p3, !p0;
	[smem:$0x7FD] =	sst s0;
	(pc) =	sbr.rel .LBB2_1-.Ltmp0, $4  }
0x20: {  	s26 =	sadd.s32 $0x2490, s3;
	s30 =	sadd.s32 $0xA, s14;
	[dreg:$0x9] =	wrdreg s29  }
0x21: {  	s10 =	simm.s32 $0x3;
	s18 =	simm.s32 $0x4;
	[dreg:$0x19] =	wrdreg s30  }
0x22: {  	s21 =	simm.s32 $0x2;
	s29 =	sadd.s32 $0xA, s29;
	[dreg:$0x17] =	wrdreg s26  }
0x23: {  	v0 =	vimm.f32 $1.000000000e+00;
	s22 =	simm.s32 $0x6;
	s25 =	sadd.s32 s25, s6;
	[dreg:$0x18] =	wrdreg s29  }
.LBB2_4:
0x24: {  	_ =	swait.ge [sflag:s19], $0x2800  }
0x25: {  	[sflag:s19] =	ssyncset.done $0x0  }
0x26: {  	[sflag:s19] =	ssyncadd.s32 $0xFFFFD800  }
0x27: {  	_ =	swait.ge [sflag:s12], $0x50  }
0x28: {  	[sflag:s12] =	ssyncset.done $0x0  }
0x29: {  	[sflag:s12] =	ssyncadd.s32 $0xFFFFFFB0  }
0x2a: {  	[spmem:s2] =	stream.indirect.scatter.add.f32 @p0 [tilespmem:s17], [sflag:$0x8], $0x80, s28, s26, $0xb8;
	[tilespmem:$0x18FF8] =	vst v63  }
0x2b: {  	_ =	swait.ge @p0 [sflag:s23], $0x2800  }
0x2c: {  	[sflag:s23] =	ssyncset.done @p0 $0x0  }
0x2d: {  	[sflag:s23] =	ssyncadd.s32 @p0 $0xFFFFD800  }
0x2e: {  	[bflag:$0x0] =	sbarrier.arrive @p0 $0xFFFF  }
0x2f: {  	s8 =	sld [smem:$0x7FD];
	_ =	sdelay $0x2  }
0x30: {  	s16 =	rddreg [dreg:$0x16];
	p3 =	seq.s32 s8, $0x1  }
0x31: {  	s11 =	rddreg [dreg:$0xe];
	s8 =	sshrl.u32 @!p3 s16, $0x3;
	s9 =	simm.s32 @!p3 $0x1FC8  }
0x32: {  	[hbm:s11], [sflag:s9] =	dma.local @!p3 [spmem:s8], $0x2800  }
0x33: {  	s8 =	simm.s32 @!p3 $0x8  }
0x34: {  	_ =	swait.ge @!p3 [sflag:s8], $0x2800  }
0x35: {  	[sflag:s8] =	ssyncset.done @!p3 $0x0  }
0x36: {  	s9 =	simm.s32 @!p3 $0x18D78;
	s26 =	rddreg [dreg:$0x17];
	[sflag:s8] =	ssyncadd.s32 @!p3 $0xFFFFD800  }
0x37: {  	[tilespmem:s9], [sflag:$0x8] =	stream.linear.gather @!p3 [spmem:s26], $0x280, $0x38;
	[tilespmem:$0x18FF8] =	vst v63  }
0x38: {  	_ =	swait.ge @!p3 [sflag:s8], $0x280  }
0x39: {  	[sflag:s8] =	ssyncset.done @!p3 $0x0  }
0x3a: {  	s11 =	simm.s32 @!p3 $0x0;
	s14 =	rddreg [dreg:$0xf];
	[sflag:s8] =	ssyncadd.s32 @!p3 $0xFFFFFD80  }
0x3b: {  	[hbm4b:s14+s11] =	stream.linear.scatter @!p3 [tilespmem:s9], [sflag:$0x8], $0x280, $0x38;
	[tilespmem:$0x18FF8] =	vst v63  }
0x3c: {  	_ =	swait.ge @!p3 [sflag:s8], $0x280  }
0x3d: {  	s17 =	stileid.u32;
	s23 =	rddreg [dreg:$0x7]  }
0x3e: {  	s9 =	sshll.u32 @!p4 s17, $0x6;
	[sflag:s8] =	ssyncset.done @!p3 $0x0;
	s11 =	rddreg [dreg:$0xb]  }
0x3f: {  	[sflag:s8] =	ssyncadd.s32 @!p3 $0xFFFFFD80;
	s8 =	sor.u32 @!p4 $0x1C08, s9;
	s9 =	sshrl.u32 @!p4 s23, $0x3  }
0x40: {  	[hbm:s11], [sflag:s8] =	dma.local @!p4 [spmem:s9], $0x2700  }
0x41: {  	s8 =	simm.s32 @!p4 $0x8  }
0x42: {  	_ =	swait.ge @!p4 [sflag:s8], $0x2700  }
0x43: {  	[sflag:s8] =	ssyncset.done @!p4 $0x0  }
0x44: {  	s9 =	simm.s32 @!p4 $0x18D78;
	s14 =	rddreg [dreg:$0xc];
	[sflag:s8] =	ssyncadd.s32 @!p4 $0xFFFFD900  }
0x45: {  	[tilespmem:s9], [sflag:$0x8] =	stream.linear.gather @!p4 [spmem:s14], $0x270, $0x38;
	[tilespmem:$0x18FF8] =	vst v63  }
0x46: {  	_ =	swait.ge @!p4 [sflag:s8], $0x270  }
0x47: {  	[sflag:s8] =	ssyncset.done @!p4 $0x0  }
0x48: {  	s11 =	simm.s32 @!p4 $0x0;
	s15 =	rddreg [dreg:$0xd];
	[sflag:s8] =	ssyncadd.s32 @!p4 $0xFFFFFD90  }
0x49: {  	[hbm4b:s15+s11] =	stream.linear.scatter @!p4 [tilespmem:s9], [sflag:$0x8], $0x270, $0x38;
	[tilespmem:$0x18FF8] =	vst v63  }
0x4a: {  	_ =	swait.ge @!p4 [sflag:s8], $0x270  }
0x4b: {  	[sflag:s8] =	ssyncset.done @!p4 $0x0  }
0x4c: {  	[sflag:s8] =	ssyncadd.s32 @!p4 $0xFFFFFD90  }
0x4d: {  	[spmem:s3] =	stream.indirect.scatter.add.f32 @!p0 [tilespmem:s30], [sflag:$0x7], $0x1, s29, s24, $0xb8;
	[tilespmem:$0x18FF8] =	vst v63  }
0x4e: {  	_ = 	snop  }
0x4f: {  	[spmem:s2] =	stream.indirect.scatter.add.f32 @!p0 [tilespmem:s0], [sflag:$0x8], $0x80, s29, s24, $0xb8;
	[tilespmem:$0x18FF8] =	vst v63  }
0x50: {  	_ =	swait.ge @!p0 [sflag:s4], $0x2800  }
0x51: {  	[sflag:s4] =	ssyncset.done @!p0 $0x0  }
0x52: {  	[sflag:s4] =	ssyncadd.s32 @!p0 $0xFFFFD800  }
0x53: {  	_ =	swait.ge @!p0 [sflag:s7], $0x50  }
0x54: {  	[sflag:s7] =	ssyncset.done @!p0 $0x0  }
0x55: {  	[sflag:s7] =	ssyncadd.s32 @!p0 $0xFFFFFFB0  }
0x56: {  	[bflag:$0x0] =	sbarrier.arrive @!p0 $0xFFFF  }
0x57: {  	s0 =	sshrl.u32 @!p5 s16, $0x3;
	s4 =	simm.s32 @!p5 $0x1FC8;
	s7 =	rddreg [dreg:$0x12]  }
0x58: {  	[hbm:s7], [sflag:s4] =	dma.local @!p5 [spmem:s0], $0x2800  }
0x59: {  	s0 =	simm.s32 @!p5 $0x8  }
0x5a: {  	_ =	swait.ge @!p5 [sflag:s0], $0x2800  }
0x5b: {  	[sflag:s0] =	ssyncset.done @!p5 $0x0  }
0x5c: {  	s4 =	simm.s32 @!p5 $0x18D78;
	[sflag:s0] =	ssyncadd.s32 @!p5 $0xFFFFD800  }
0x5d: {  	[tilespmem:s4], [sflag:$0x8] =	stream.linear.gather @!p5 [spmem:s26], $0x280, $0x38;
	[tilespmem:$0x18FF8] =	vst v63  }
0x5e: {  	_ =	swait.ge @!p5 [sflag:s0], $0x280  }
0x5f: {  	[sflag:s0] =	ssyncset.done @!p5 $0x0  }
0x60: {  	s7 =	simm.s32 @!p5 $0x0;
	s8 =	rddreg [dreg:$0x13];
	[sflag:s0] =	ssyncadd.s32 @!p5 $0xFFFFFD80  }
0x61: {  	[hbm4b:s8+s7] =	stream.linear.scatter @!p5 [tilespmem:s4], [sflag:$0x8], $0x280, $0x38;
	[tilespmem:$0x18FF8] =	vst v63  }
0x62: {  	_ =	swait.ge @!p5 [sflag:s0], $0x280  }
0x63: {  	s4 =	sshll.u32 @!p6 s17, $0x6;
	[sflag:s0] =	ssyncset.done @!p5 $0x0;
	s7 =	rddreg [dreg:$0x10]  }
0x64: {  	[sflag:s0] =	ssyncadd.s32 @!p5 $0xFFFFFD80;
	s0 =	sor.u32 @!p6 $0x1C08, s4;
	s4 =	sshrl.u32 @!p6 s23, $0x3  }
0x65: {  	[hbm:s7], [sflag:s0] =	dma.local @!p6 [spmem:s4], $0x2700  }
0x66: {  	s0 =	simm.s32 @!p6 $0x8  }
0x67: {  	_ =	swait.ge @!p6 [sflag:s0], $0x2700  }
0x68: {  	[sflag:s0] =	ssyncset.done @!p6 $0x0  }
0x69: {  	s4 =	simm.s32 @!p6 $0x18D78;
	[sflag:s0] =	ssyncadd.s32 @!p6 $0xFFFFD900  }
0x6a: {  	[tilespmem:s4], [sflag:$0x8] =	stream.linear.gather @!p6 [spmem:s14], $0x270, $0x38;
	[tilespmem:$0x18FF8] =	vst v63  }
0x6b: {  	_ =	swait.ge @!p6 [sflag:s0], $0x270  }
0x6c: {  	[sflag:s0] =	ssyncset.done @!p6 $0x0  }
0x6d: {  	s7 =	simm.s32 @!p6 $0x0;
	s8 =	rddreg [dreg:$0x11];
	[sflag:s0] =	ssyncadd.s32 @!p6 $0xFFFFFD90  }
0x6e: {  	[hbm4b:s8+s7] =	stream.linear.scatter @!p6 [tilespmem:s4], [sflag:$0x8], $0x270, $0x38;
	[tilespmem:$0x18FF8] =	vst v63  }
0x6f: {  	_ =	swait.ge @!p6 [sflag:s0], $0x270  }
0x70: {  	s29 =	rddreg [dreg:$0x1a]  }
0x71: {  	s30 =	rddreg [dreg:$0x14];
	s7 =	sadd.s32 $0x1, s29  }
0x72: {  	p3 =	sne.s32 s7, s30  }
.Ltmp1:
0x73: {  	_ = 	snop;
	(pc) =	sbr.rel @!p3 .LBB2_5-.Ltmp1, $3  }
0x74: {  	_ =	sdelay $0x1  }
0x75: {  	[sflag:s0] =	ssyncset.done @!p6 $0x0  }
0x76: {  	[sflag:s0] =	ssyncadd.s32 @!p6 $0xFFFFFD90  }
.LBB2_1:
0x77: {  	[dreg:$0x1a] =	wrdreg s7  }
0x78: {  	s0 =	rddreg [dreg:$0x6];
	s4 =	simm.s32 $0x18D78;
	s15 =	simm.s32 $0x8  }
0x79: {  	[tilespmem:s4], [sflag:$0x8] =	stream.linear.gather [hbm4b:s0+s5], $0x280, $0x38;
	[tilespmem:$0x18FF8] =	vst v63  }
0x7a: {  	_ =	swait.ge [sflag:s15], $0x280  }
0x7b: {  	s0 =	sshrl.u32 @p2 s16, $0x3;
	[sflag:s15] =	ssyncset.done $0x0  }
0x7c: {  	s4 =	simm.s32 @p2 $0x1FC8;
	s7 =	rddreg [dreg:$0x5];
	[sflag:s15] =	ssyncadd.s32 $0xFFFFFD80  }
0x7d: {  	[spmem:s0], [sflag:s4] =	dma.local @p2 [hbm:s7], $0x2800  }
0x7e: {  	s0 =	simm.s32 @p2 $0x8  }
0x7f: {  	_ =	swait.ge @p2 [sflag:s0], $0x2800  }
0x80: {  	[sflag:s0] =	ssyncset.done @p2 $0x0  }
0x81: {  	s4 =	simm.s32 @p2 $0x18D78;
	[sflag:s0] =	ssyncadd.s32 @p2 $0xFFFFD800  }
0x82: {  	[spmem:s26] =	stream.linear.scatter @p2 [tilespmem:s4], [sflag:$0x8], $0x280, $0x38;
	[tilespmem:$0x18FF8] =	vst v63  }
0x83: {  	_ =	swait.ge @p2 [sflag:s0], $0x280  }
0x84: {  	s4 =	sshll.u32 @!p2 s17, $0x6;
	[sflag:s0] =	ssyncset.done @p2 $0x0  }
0x85: {  	[sflag:s0] =	ssyncadd.s32 @p2 $0xFFFFFD80;
	s0 =	sor.u32 @!p2 $0x1C08, s4;
	s4 =	sshrl.u32 @!p2 s23, $0x3  }
0x86: {  	[spmem:s4], [sflag:s0] =	dma.local @!p2 [hbm:s7], $0x2700  }
0x87: {  	s0 =	simm.s32 @!p2 $0x8  }
0x88: {  	_ =	swait.ge @!p2 [sflag:s0], $0x2700  }
0x89: {  	[sflag:s0] =	ssyncset.done @!p2 $0x0  }
0x8a: {  	s4 =	simm.s32 @!p2 $0x18D78;
	s7 =	rddreg [dreg:$0x8];
	[sflag:s0] =	ssyncadd.s32 @!p2 $0xFFFFD900  }
0x8b: {  	[spmem:s7] =	stream.linear.scatter @!p2 [tilespmem:s4], [sflag:$0x8], $0x270, $0x38;
	[tilespmem:$0x18FF8] =	vst v63  }
0x8c: {  	_ =	swait.ge @!p2 [sflag:s0], $0x270  }
0x8d: {  	[sflag:s0] =	ssyncset.done @!p2 $0x0  }
0x8e: {  	[sflag:s0] =	ssyncadd.s32 @!p2 $0xFFFFFD90  }
0x8f: {  	[tilespmem:$0x18CF8] =	vst v0  }
0x90: {  	[tilespmem:$0x18D08] =	vst v0  }
0x91: {  	[tilespmem:$0x18D18] =	vst v0  }
0x92: {  	[tilespmem:$0x18D28] =	vst v0  }
0x93: {  	[tilespmem:$0x18D38] =	vst v0  }
0x94: {  	[bflag:$0x0] =	sbarrier.arrive $0xFFFF  }
0x95: {  	s16 =	rddreg [dreg:$0x9]  }
0x96: {  	[tilespmem:s31], [sflag:$0x3] =	stream.linear.gather [hbm4b:s16+s5], $0x50, $0x38;
	[tilespmem:$0x18FF8] =	vst v63  }
0x97: {  	s23 =	simm.s32 $0x13BF8;
	s17 =	rddreg [dreg:$0xa]  }
0x98: {  	[tilespmem:s23], [sflag:$0x5] =	stream.linear.gather [hbm4b:s17+s5], $0x50, $0x38;
	[tilespmem:$0x18FF8] =	vst v63  }
0x99: {  	_ =	swait.ge [sflag:s10], $0x50  }
0x9a: {  	[sflag:s10] =	ssyncset.done $0x0  }
0x9b: {  	s24 =	simm.s32 $0x13CF8;
	s26 =	rddreg [dreg:$0x18];
	[sflag:s10] =	ssyncadd.s32 $0xFFFFFFB0  }
0x9c: {  	[tilespmem:s24], [sflag:$0x1] =	stream.indirect.gather [hbm4b:s1+s13], $0x80, s31, s13, $0xb8;
	[tilespmem:$0x18FF8] =	vst v63  }
0x9d: {  	s28 =	simm.s32 $0x13B78;
	s29 =	rddreg [dreg:$0x19]  }
0x9e: {  	[tilespmem:s28], [sflag:$0x4] =	stream.linear.gather [hbm4b:s26+s5], $0x50, $0x38;
	[tilespmem:$0x18FF8] =	vst v63  }
0x9f: {  	s30 =	simm.s32 $0x13C78;
	s14 =	simm.s32 $0x0;
	s9 =	rddreg [dreg:$0x15]  }
0xa0: {  	[tilespmem:s30], [sflag:$0x6] =	stream.linear.gather [hbm4b:s29+s5], $0x50, $0x38;
	[tilespmem:$0x18FF8] =	vst v63  }
.LBB2_2:
0xa1: {  	_ =	swait.ge [sflag:s18], $0x50  }
0xa2: {  	[sflag:s18] =	ssyncset.done $0x0  }
0xa3: {  	s0 =	simm.s32 $0x13B78;
	s4 =	simm.s32 $0x164F8;
	[sflag:s18] =	ssyncadd.s32 $0xFFFFFFB0  }
0xa4: {  	[tilespmem:s4], [sflag:$0x2] =	stream.indirect.gather [hbm4b:s1+s13], $0x80, s0, s13, $0xb8;
	[tilespmem:$0x18FF8] =	vst v63  }
0xa5: {  	_ =	swait.ge [sflag:s19], $0x2800  }
0xa6: {  	s15 =	sshrl.u32 s9, $0x3;
	[sflag:s19] =	ssyncset.done $0x0  }
0xa7: {  	s0 =	sadd.s32 s6, s15;
	[sflag:s19] =	ssyncadd.s32 $0xFFFFD800  }
0xa8: {  	[tilespmem:s31], [sflag:$0x3] =	stream.linear.gather [hbm4b:s0+s5], $0x50, $0x38;
	[tilespmem:$0x18FF8] =	vst v63  }
0xa9: {  	_ =	swait.ge [sflag:s12], $0x50  }
0xaa: {  	s26 =	simm.s32 @p0 $0x50;
	s28 =	simm.s32 @p0 $0x13BF8;
	[sflag:s12] =	ssyncset.done $0x0  }
0xab: {  	s17 =	simm.s32 @p0 $0x13CF8;
	s23 =	simm.s32 @p0 $0x8;
	[sflag:s12] =	ssyncadd.s32 $0xFFFFFFB0  }
0xac: {  	[spmem:s2] =	stream.indirect.scatter.add.f32 @p0 [tilespmem:s17], [sflag:$0x8], $0x80, s28, s26, $0xb8;
	[tilespmem:$0x18FF8] =	vst v63  }
0xad: {  	_ =	swait.ge @p0 [sflag:s23], $0x2800  }
0xae: {  	s24 =	simm.s32 @!p0 $0x50;
	[sflag:s23] =	ssyncset.done @p0 $0x0  }
0xaf: {  	s29 =	simm.s32 @!p0 $0x13BF8;
	s30 =	simm.s32 @!p0 $0x18CF8;
	[sflag:s23] =	ssyncadd.s32 @p0 $0xFFFFD800  }
0xb0: {  	[spmem:s3] =	stream.indirect.scatter.add.f32 @!p0 [tilespmem:s30], [sflag:$0x7], $0x1, s29, s24, $0xb8;
	[tilespmem:$0x18FF8] =	vst v63  }
0xb1: {  	s4 =	simm.s32 @!p0 $0x8;
	s0 =	simm.s32 @!p0 $0x13CF8  }
0xb2: {  	[spmem:s2] =	stream.indirect.scatter.add.f32 @!p0 [tilespmem:s0], [sflag:$0x8], $0x80, s29, s24, $0xb8;
	[tilespmem:$0x18FF8] =	vst v63  }
0xb3: {  	_ =	swait.ge @!p0 [sflag:s4], $0x2800  }
0xb4: {  	[sflag:s4] =	ssyncset.done @!p0 $0x0  }
0xb5: {  	s7 =	simm.s32 @!p0 $0x7;
	[sflag:s4] =	ssyncadd.s32 @!p0 $0xFFFFD800  }
0xb6: {  	_ =	swait.ge @!p0 [sflag:s7], $0x50  }
0xb7: {  	s11 =	sadd.s32 s14, s20;
	[sflag:s7] =	ssyncset.done @!p0 $0x0  }
0xb8: {  	s8 =	sadd.s32 $0x14, s11;
	s15 =	simm.s32 $0x13BF8;
	[sflag:s7] =	ssyncadd.s32 @!p0 $0xFFFFFFB0  }
0xb9: {  	[tilespmem:s15], [sflag:$0x5] =	stream.linear.gather [hbm4b:s8+s5], $0x50, $0x38;
	[tilespmem:$0x18FF8] =	vst v63  }
0xba: {  	_ =	swait.ge [sflag:s10], $0x50  }
0xbb: {  	[sflag:s10] =	ssyncset.done $0x0  }
0xbc: {  	s16 =	simm.s32 $0x13CF8;
	[sflag:s10] =	ssyncadd.s32 $0xFFFFFFB0  }
0xbd: {  	[tilespmem:s16], [sflag:$0x1] =	stream.indirect.gather [hbm4b:s1+s13], $0x80, s31, s13, $0xb8;
	[tilespmem:$0x18FF8] =	vst v63  }
0xbe: {  	p3 =	seq.s32 s14, $0x4C4;
	_ =	swait.ge [sflag:s21], $0x2800  }
0xbf: {  	s8 =	sadd.s32 @!p3 s14, s25;
	[sflag:s21] =	ssyncset.done $0x0  }
0xc0: {  	s15 =	simm.s32 @!p3 $0x0;
	s16 =	simm.s32 @!p3 $0x13B78;
	[sflag:s21] =	ssyncadd.s32 $0xFFFFD800  }
0xc1: {  	[tilespmem:s16], [sflag:$0x4] =	stream.linear.gather @!p3 [hbm4b:s8+s15], $0x50, $0x38;
	[tilespmem:$0x18FF8] =	vst v63  }
0xc2: {  	_ =	swait.ge [sflag:s22], $0x50  }
0xc3: {  	s8 =	simm.s32 @p1 $0x50;
	[sflag:s22] =	ssyncset.done $0x0  }
0xc4: {  	s15 =	simm.s32 @p1 $0x13C78;
	s16 =	simm.s32 @p1 $0x164F8;
	[sflag:s22] =	ssyncadd.s32 $0xFFFFFFB0  }
0xc5: {  	[spmem:s2] =	stream.indirect.scatter.add.f32 @p1 [tilespmem:s16], [sflag:$0x8], $0x80, s15, s8, $0xb8;
	[tilespmem:$0x18FF8] =	vst v63  }
0xc6: {  	s8 =	simm.s32 @p1 $0x8  }
0xc7: {  	_ =	swait.ge @p1 [sflag:s8], $0x2800  }
0xc8: {  	s15 =	simm.s32 @!p1 $0x13C78;
	[sflag:s8] =	ssyncset.done @p1 $0x0  }
0xc9: {  	s16 =	simm.s32 @!p1 $0x18CF8;
	[sflag:s8] =	ssyncadd.s32 @p1 $0xFFFFD800;
	s8 =	simm.s32 @!p1 $0x50  }
0xca: {  	[spmem:s3] =	stream.indirect.scatter.add.f32 @!p1 [tilespmem:s16], [sflag:$0x7], $0x1, s15, s8, $0xb8;
	[tilespmem:$0x18FF8] =	vst v63  }
0xcb: {  	s16 =	simm.s32 @!p1 $0x164F8  }
0xcc: {  	[spmem:s2] =	stream.indirect.scatter.add.f32 @!p1 [tilespmem:s16], [sflag:$0x8], $0x80, s15, s8, $0xb8;
	[tilespmem:$0x18FF8] =	vst v63  }
0xcd: {  	s8 =	simm.s32 @!p1 $0x8  }
0xce: {  	_ =	swait.ge @!p1 [sflag:s8], $0x2800  }
.Ltmp2:
0xcf: {  	[sflag:s8] =	ssyncset.done @!p1 $0x0;
	(pc) =	sbr.rel @p3 .LBB2_4-.Ltmp2, $4  }
0xd0: {  	[sflag:s8] =	ssyncadd.s32 @!p1 $0xFFFFD800;
	s8 =	simm.s32 @!p1 $0x7  }
0xd1: {  	_ =	swait.ge @!p1 [sflag:s8], $0x50  }
0xd2: {  	[sflag:s8] =	ssyncset.done @!p1 $0x0  }
0xd3: {  	[sflag:s8] =	ssyncadd.s32 @!p1 $0xFFFFFFB0  }
.Ltmp3:
0xd4: {  	(pc) =	sbr.rel .LBB2_2-.Ltmp3, $4  }
0xd5: {  	_ = 	snop  }
0xd6: {  	s0 =	sadd.s32 $0x1E, s11  }
0xd7: {  	s4 =	simm.s32 $0x13C78;
	s9 =	sadd.s32 $0xA0, s9;
	s14 =	sadd.s32 $0x14, s14  }
0xd8: {  	[tilespmem:s4], [sflag:$0x6] =	stream.linear.gather [hbm4b:s0+s5], $0x50, $0x38;
	[tilespmem:$0x18FF8] =	vst v63  }
.LBB2_5:
0xd9: {  	_ =	sfence.sel $0x180000  }
0xda: {  	[bflag:$0x0] =	sbarrier.arrive $0xFFFF  }
0xdb: {  	_ =	strace $0x90000047  }
0xdc: {  	[bflag:$0x2] =	sbarrier.arrive $0xFFFF  }
0xdd: {  	p0 =	sne.s32 s17, $0x0;
	s0 =	rddreg [dreg:$0x4]  }
0xde: {  	s0 =	sadd.s32 @!p0 $0x100000, s0  }
0xdf: {  	[sflag:s0] =	ssyncadd.tile.s32 @!p0 $0x1;
	_ =	shalt  }
.Lfunc_end2:
_tile_overlayer_lowered:
.L_overlay_start_2:
0xe0: {  	(tag) =	ssettag $0x2  }
0xe1: {  	s0 =	rddreg [dreg:$0x0];
	s2 =	stileid.u32  }
0xe2: {  	s1 =	rddreg [dreg:$0x1];
	p0 =	sne.s32 s2, $0x0  }
0xe3: {  	s3 =	rddreg [dreg:$0x2];
	[bflag:$0x3] =	sbarrier.arrive $0xFFFF;
	s2 =	simm.s32 @!p0 $0x1C08  }
0xe4: {  	[timem:s3], [sflag:s2] =	dma.local @!p0 [hbm:s0], s1  }
0xe5: {  	s0 =	simm.s32 @!p0 $0x8  }
0xe6: {  	_ =	swait.ge @!p0 [sflag:s0], s1  }
0xe7: {  	s1 =	ssub.s32 @!p0 $0x0, s1;
	[sflag:s0] =	ssyncset.done @!p0 $0x0  }
0xe8: {  	[sflag:s0] =	ssyncadd.s32 @!p0 s1  }
0xe9: {  	[bflag:$0x3] =	sbarrier.arrive $0xFFFF  }
0xea: {  	_ =	shalt  }

</sc_bundles>
